<compile_context>
chip_gen: v7x
topology: tpu7x:2x2x1
jax: 0.10.2.dev20260603
libtpu: 0.0.44.dev20260713+nightly
codegen_flags: <defaults>
</compile_context>

<pallas_src>
import functools

import jax
import jax.numpy as jnp
from jax import lax
from jax.experimental import pallas as pl
from jax.experimental.pallas import tpu as pltpu
from jax.experimental.pallas import tpu_sc as plsc

DIM = 128
HW = DIM // 2
NW = 32
R = 128


def _pack_table(tab):
    v = tab.shape[0]
    pairs = tab.reshape(v, DIM // 32, 2, 16).transpose(0, 1, 3, 2)
    return lax.bitcast_convert_type(
        pairs.astype(jnp.bfloat16), jnp.int32).reshape(v, HW)


def _build(n_rows):
    per_w = n_rows // NW
    steps = per_w // R
    assert steps % 4 == 0
    mesh = plsc.VectorSubcoreMesh(core_axis_name="c", subcore_axis_name="s")

    @functools.partial(
        pl.kernel,
        mesh=mesh,
        compiler_params=pltpu.CompilerParams(
            needs_layout_passes=False, use_tc_tiling_on_sc=False),
        out_type=jax.ShapeDtypeStruct((n_rows, DIM), jnp.float32),
        scratch_types=[
            pltpu.VMEM((steps, R), jnp.int32),
            pltpu.VMEM((steps, R), jnp.int32),
            [pltpu.VMEM((R, DIM), jnp.float32) for _ in range(4)],
            [pltpu.VMEM((R, HW), jnp.int32) for _ in range(2)],
            [pltpu.SemaphoreType.DMA for _ in range(4)],
            [pltpu.SemaphoreType.DMA for _ in range(2)],
            [pltpu.SemaphoreType.DMA for _ in range(4)],
        ],
    )
    def k(tok_idx_hbm, pos_idx_hbm, emb_hbm, pos_hbm, out_hbm,
          idx_tok, idx_pos, tok_b, pos_b, sem_t, sem_p, sem_o):
        wid = lax.axis_index("s") * 2 + lax.axis_index("c")
        wbase = wid * per_w

        pltpu.sync_copy(tok_idx_hbm.at[wid], idx_tok)
        pltpu.sync_copy(pos_idx_hbm.at[wid], idx_pos)

        def issue_tok(si, kn):
            pltpu.async_copy(
                emb_hbm.at[idx_tok.at[si]], tok_b[kn % 4], sem_t[kn % 4])

        def wait_tok(si, kn):
            pltpu.make_async_copy(
                emb_hbm.at[idx_tok.at[si]], tok_b[kn % 4], sem_t[kn % 4]).wait()

        def issue_pos(si, kn):
            pltpu.async_copy(
                pos_hbm.at[idx_pos.at[si]], pos_b[kn % 2], sem_p[kn % 2])

        def wait_pos(si, kn):
            pltpu.make_async_copy(
                pos_hbm.at[idx_pos.at[si]], pos_b[kn % 2], sem_p[kn % 2]).wait()

        def add(kn):
            tb, pb = tok_b[kn % 4], pos_b[kn % 2]
            himask = jnp.int32(-65536)

            def lo(w):
                return plsc.bitcast(lax.shift_left(w, 16), jnp.float32)

            def hi(w):
                return plsc.bitcast(w & himask, jnp.float32)

            def add_row(r, c):
                for jj in range(DIM // 32):
                    wp = pb[r, pl.ds(jj * 16, 16)]
                    sa = pl.ds(jj * 32, 16)
                    sb = pl.ds(jj * 32 + 16, 16)
                    tb[r, sa] = tb[r, sa] + lo(wp)
                    tb[r, sb] = tb[r, sb] + hi(wp)
                return c

            lax.fori_loop(0, R, add_row, 0)

        def start_out(si, kn):
            pltpu.async_copy(
                tok_b[kn % 4], out_hbm.at[pl.ds(wbase + si * R, R)], sem_o[kn % 4])

        def wait_out(si, kn):
            pltpu.make_async_copy(
                tok_b[kn % 4], out_hbm.at[pl.ds(wbase + si * R, R)],
                sem_o[kn % 4]).wait()

        def half(si, kn):
            @pl.when(si + 2 < steps)
            def _():
                @pl.when(si >= 2)
                def _():
                    wait_out(si - 2, kn + 2)

                issue_tok(si + 2, kn + 2)

            @pl.when(si + 1 < steps)
            def _():
                issue_pos(si + 1, kn + 1)

            wait_tok(si, kn)
            wait_pos(si, kn)
            add(kn)
            start_out(si, kn)

        issue_tok(0, 0)
        issue_tok(1, 1)
        issue_pos(0, 0)

        def body(i4, carry):
            base = i4 * 4
            for kk in range(4):
                half(base + kk, kk)
            return carry

        lax.fori_loop(0, steps // 4, body, 0)
        wait_out(steps - 2, steps - 2)
        wait_out(steps - 1, steps - 1)

    return k


@jax.jit
def kernel(input_tensor, incremental_mask, emb_table, pos_table):
    b, l = input_tensor.shape
    n = b * l
    per_w = n // NW
    steps = per_w // R
    tok_idx = input_tensor.reshape(NW, steps, R)
    pos_idx = incremental_mask.reshape(NW, steps, R)
    out = _build(n)(tok_idx, pos_idx, emb_table, _pack_table(pos_table))
    return out.reshape(b, l, DIM)

# --- scband reference (transcript-rebuilt; emitter-appended) ---
"""Pipeline reference for scband-input-layer-with-absolute-position-19327352832124 (READ-ONLY COPY).

The authoritative reference and input builder live on the scoring server;
editing this copy changes nothing except your own understanding.
"""

import jax, jax.numpy as jnp
import numpy as np

VOCAB = 100000
DIM = 128
MAXLEN = 512
B = 1024
L = 512


def _position_enc():
    pos = np.arange(MAXLEN + 1, dtype=np.float64)[:, None]
    j = np.arange(DIM, dtype=np.float64)[None, :]
    enc = pos / np.power(10000.0, 2.0 * (np.floor(j / 2.0)) / DIM)
    enc[0, :] = 0.0
    enc[1:, 0::2] = np.sin(enc[1:, 0::2])
    enc[1:, 1::2] = np.cos(enc[1:, 1::2])
    return jnp.asarray(enc, dtype=jnp.float32)


def setup_inputs(seed: int = 0) -> dict:
    key = jax.random.key(seed)
    k1, k2, k3 = jax.random.split(key, 3)
    input_tensor = jax.random.randint(k1, (B, L), 0, VOCAB, dtype=jnp.int32)
    incremental_mask = jax.random.randint(k2, (B, L), 0, MAXLEN + 1, dtype=jnp.int32)
    emb_table = jax.random.normal(k3, (VOCAB, DIM), dtype=jnp.float32)
    pos_table = _position_enc()
    return {
        "input_tensor": input_tensor,
        "incremental_mask": incremental_mask,
        "emb_table": emb_table,
        "pos_table": pos_table,
    }


def reference(input_tensor, incremental_mask, emb_table, pos_table):
    # token embedding lookup: (B, L) -> (B, L, DIM)
    tok = jnp.take(emb_table, input_tensor, axis=0)
    # absolute position embedding lookup (padding idx 0 maps to the all-zero row)
    pos = jnp.take(pos_table, incremental_mask, axis=0)
    return tok + pos

if __name__ == "__main__":
    import jax
    _d = setup_inputs()
    print(jax.jit(kernel)(*tuple(_d.values())))

</pallas_src>

<mosaic_0001>
#map = affine_map<(d0, d1) -> (0, 0, 0)>
#map1 = affine_map<(d0, d1) -> (0, 0)>
module attributes {stable_mosaic.version = 14 : i64} {
  func.func @k(%arg0: i32, %arg1: i32, %arg2: memref<32x128x128xi32, #tpu.memory_space<hbm>>, %arg3: memref<32x128x128xi32, #tpu.memory_space<hbm>>, %arg4: memref<100000x128xf32, #tpu.memory_space<hbm>>, %arg5: memref<513x64xi32, #tpu.memory_space<hbm>>, %arg6: memref<524288x128xf32, #tpu.memory_space<hbm>>, %arg7: memref<128x128xi32, #tpu.memory_space<vmem>>, %arg8: memref<128x128xi32, #tpu.memory_space<vmem>>, %arg9: memref<128x128xf32, #tpu.memory_space<vmem>>, %arg10: memref<128x128xf32, #tpu.memory_space<vmem>>, %arg11: memref<128x128xf32, #tpu.memory_space<vmem>>, %arg12: memref<128x128xf32, #tpu.memory_space<vmem>>, %arg13: memref<128x64xi32, #tpu.memory_space<vmem>>, %arg14: memref<128x64xi32, #tpu.memory_space<vmem>>, %arg15: memref<!tpu.dma_semaphore, #tpu.memory_space<semaphore_mem>>, %arg16: memref<!tpu.dma_semaphore, #tpu.memory_space<semaphore_mem>>, %arg17: memref<!tpu.dma_semaphore, #tpu.memory_space<semaphore_mem>>, %arg18: memref<!tpu.dma_semaphore, #tpu.memory_space<semaphore_mem>>, %arg19: memref<!tpu.dma_semaphore, #tpu.memory_space<semaphore_mem>>, %arg20: memref<!tpu.dma_semaphore, #tpu.memory_space<semaphore_mem>>, %arg21: memref<!tpu.dma_semaphore, #tpu.memory_space<semaphore_mem>>, %arg22: memref<!tpu.dma_semaphore, #tpu.memory_space<semaphore_mem>>, %arg23: memref<!tpu.dma_semaphore, #tpu.memory_space<semaphore_mem>>, %arg24: memref<!tpu.dma_semaphore, #tpu.memory_space<semaphore_mem>>) attributes {dimension_semantics = [#tpu.dimension_semantics<core_parallel>, #tpu.dimension_semantics<subcore_parallel>], iteration_bounds = array<i64: 2, 16>, scalar_prefetch = 0 : i64, scratch_operands = 18 : i64, tpu.core_type = #tpu.core_type<sc_vector_subcore>, window_params = [{transform_indices = #map}, {transform_indices = #map}, {transform_indices = #map1}, {transform_indices = #map1}, {transform_indices = #map1}]} {
    %mul3A = arith.constant 2 : i32
    %mul3A_0 = arith.muli %arg1, %mul3A : i32
    %add3A = arith.addi %mul3A_0, %arg0 : i32
    %mul3A_1 = arith.constant 16384 : i32
    %mul3A_2 = arith.muli %add3A, %mul3A_1 : i32
    "tpu.region"() ({
      %run_scoped3A = tpu.sem_alloc : memref<!tpu.dma_semaphore, #tpu.memory_space<semaphore_mem>>
      %dma_start3A_39 = arith.constant 0 : i32
      %dma_start3A_40 = arith.constant 0 : i32
      %dma_start3A_41 = tpu.memref_slice %arg2[%add3A, %dma_start3A_39, %dma_start3A_40] : memref<32x128x128xi32, #tpu.memory_space<hbm>> -> memref<1x128x128xi32, #tpu.memory_space<hbm>>
      %dma_start3A_42 = tpu.memref_squeeze %dma_start3A_41 : memref<1x128x128xi32, #tpu.memory_space<hbm>> -> memref<128x128xi32, #tpu.memory_space<hbm>>
      %dma_start3A_43 = arith.constant 0 : i32
      %dma_start3A_44 = arith.constant 0 : i32
      %dma_start3A_45 = tpu.memref_slice %arg2[%add3A, %dma_start3A_43, %dma_start3A_44] : memref<32x128x128xi32, #tpu.memory_space<hbm>> -> memref<1x128x128xi32, #tpu.memory_space<hbm>>
      %dma_start3A_46 = tpu.memref_squeeze %dma_start3A_45 : memref<1x128x128xi32, #tpu.memory_space<hbm>> -> memref<128x128xi32, #tpu.memory_space<hbm>>
      tpu.enqueue_dma source(%dma_start3A_46 : memref<128x128xi32, #tpu.memory_space<hbm>>) target(%arg7 : memref<128x128xi32, #tpu.memory_space<vmem>>) target_semaphore(%run_scoped3A : memref<!tpu.dma_semaphore, #tpu.memory_space<semaphore_mem>>)
      %dma_wait3A_47 = arith.constant 0 : i32
      %dma_wait3A_48 = arith.constant 0 : i32
      %dma_wait3A_49 = tpu.memref_slice %arg2[%add3A, %dma_wait3A_47, %dma_wait3A_48] : memref<32x128x128xi32, #tpu.memory_space<hbm>> -> memref<1x128x128xi32, #tpu.memory_space<hbm>>
      %dma_wait3A_50 = tpu.memref_squeeze %dma_wait3A_49 : memref<1x128x128xi32, #tpu.memory_space<hbm>> -> memref<128x128xi32, #tpu.memory_space<hbm>>
      %dma_wait3A_51 = arith.constant 0 : i32
      %dma_wait3A_52 = arith.constant 0 : i32
      %dma_wait3A_53 = tpu.memref_slice %arg2[%add3A, %dma_wait3A_51, %dma_wait3A_52] : memref<32x128x128xi32, #tpu.memory_space<hbm>> -> memref<1x128x128xi32, #tpu.memory_space<hbm>>
      %dma_wait3A_54 = tpu.memref_squeeze %dma_wait3A_53 : memref<1x128x128xi32, #tpu.memory_space<hbm>> -> memref<128x128xi32, #tpu.memory_space<hbm>>
      tpu.wait_dma2 semaphore(%run_scoped3A : memref<!tpu.dma_semaphore, #tpu.memory_space<semaphore_mem>>) src(%dma_wait3A_54 : memref<128x128xi32, #tpu.memory_space<hbm>>) dst(%arg7 : memref<128x128xi32, #tpu.memory_space<vmem>>)
      tpu.yield
    }) : () -> ()
    "tpu.region"() ({
      %run_scoped3A = tpu.sem_alloc : memref<!tpu.dma_semaphore, #tpu.memory_space<semaphore_mem>>
      %dma_start3A_39 = arith.constant 0 : i32
      %dma_start3A_40 = arith.constant 0 : i32
      %dma_start3A_41 = tpu.memref_slice %arg3[%add3A, %dma_start3A_39, %dma_start3A_40] : memref<32x128x128xi32, #tpu.memory_space<hbm>> -> memref<1x128x128xi32, #tpu.memory_space<hbm>>
      %dma_start3A_42 = tpu.memref_squeeze %dma_start3A_41 : memref<1x128x128xi32, #tpu.memory_space<hbm>> -> memref<128x128xi32, #tpu.memory_space<hbm>>
      %dma_start3A_43 = arith.constant 0 : i32
      %dma_start3A_44 = arith.constant 0 : i32
      %dma_start3A_45 = tpu.memref_slice %arg3[%add3A, %dma_start3A_43, %dma_start3A_44] : memref<32x128x128xi32, #tpu.memory_space<hbm>> -> memref<1x128x128xi32, #tpu.memory_space<hbm>>
      %dma_start3A_46 = tpu.memref_squeeze %dma_start3A_45 : memref<1x128x128xi32, #tpu.memory_space<hbm>> -> memref<128x128xi32, #tpu.memory_space<hbm>>
      tpu.enqueue_dma source(%dma_start3A_46 : memref<128x128xi32, #tpu.memory_space<hbm>>) target(%arg8 : memref<128x128xi32, #tpu.memory_space<vmem>>) target_semaphore(%run_scoped3A : memref<!tpu.dma_semaphore, #tpu.memory_space<semaphore_mem>>)
      %dma_wait3A_47 = arith.constant 0 : i32
      %dma_wait3A_48 = arith.constant 0 : i32
      %dma_wait3A_49 = tpu.memref_slice %arg3[%add3A, %dma_wait3A_47, %dma_wait3A_48] : memref<32x128x128xi32, #tpu.memory_space<hbm>> -> memref<1x128x128xi32, #tpu.memory_space<hbm>>
      %dma_wait3A_50 = tpu.memref_squeeze %dma_wait3A_49 : memref<1x128x128xi32, #tpu.memory_space<hbm>> -> memref<128x128xi32, #tpu.memory_space<hbm>>
      %dma_wait3A_51 = arith.constant 0 : i32
      %dma_wait3A_52 = arith.constant 0 : i32
      %dma_wait3A_53 = tpu.memref_slice %arg3[%add3A, %dma_wait3A_51, %dma_wait3A_52] : memref<32x128x128xi32, #tpu.memory_space<hbm>> -> memref<1x128x128xi32, #tpu.memory_space<hbm>>
      %dma_wait3A_54 = tpu.memref_squeeze %dma_wait3A_53 : memref<1x128x128xi32, #tpu.memory_space<hbm>> -> memref<128x128xi32, #tpu.memory_space<hbm>>
      tpu.wait_dma2 semaphore(%run_scoped3A : memref<!tpu.dma_semaphore, #tpu.memory_space<semaphore_mem>>) src(%dma_wait3A_54 : memref<128x128xi32, #tpu.memory_space<hbm>>) dst(%arg8 : memref<128x128xi32, #tpu.memory_space<vmem>>)
      tpu.yield
    }) : () -> ()
    %dma_start3A = arith.constant 0 : i32
    %dma_start3A_3 = arith.constant 0 : i32
    %dma_start3A_4 = tpu.memref_slice %arg7[%dma_start3A, %dma_start3A_3] : memref<128x128xi32, #tpu.memory_space<vmem>> -> memref<1x128xi32, #tpu.memory_space<vmem>>
    %dma_start3A_5 = tpu.memref_squeeze %dma_start3A_4 : memref<1x128xi32, #tpu.memory_space<vmem>> -> memref<128xi32, #tpu.memory_space<vmem>>
    %dma_start3A_6 = arith.constant 0 : i32
    %dma_start3A_7 = arith.constant 0 : i32
    %dma_start3A_8 = tpu.memref_slice %arg4[%dma_start3A_6, %dma_start3A_7] : memref<100000x128xf32, #tpu.memory_space<hbm>> -> memref<100000x128xf32, #tpu.memory_space<hbm>>
    tpu.enqueue_indirect_dma source(%dma_start3A_8 : memref<100000x128xf32, #tpu.memory_space<hbm>>) target(%arg9 : memref<128x128xf32, #tpu.memory_space<vmem>>) offsets(%dma_start3A_5 : memref<128xi32, #tpu.memory_space<vmem>>) semaphore(%arg15 : memref<!tpu.dma_semaphore, #tpu.memory_space<semaphore_mem>>)
    %dma_start3A_9 = arith.constant 1 : i32
    %dma_start3A_10 = arith.constant 0 : i32
    %dma_start3A_11 = tpu.memref_slice %arg7[%dma_start3A_9, %dma_start3A_10] : memref<128x128xi32, #tpu.memory_space<vmem>> -> memref<1x128xi32, #tpu.memory_space<vmem>>
    %dma_start3A_12 = tpu.memref_squeeze %dma_start3A_11 : memref<1x128xi32, #tpu.memory_space<vmem>> -> memref<128xi32, #tpu.memory_space<vmem>>
    %dma_start3A_13 = arith.constant 0 : i32
    %dma_start3A_14 = arith.constant 0 : i32
    %dma_start3A_15 = tpu.memref_slice %arg4[%dma_start3A_13, %dma_start3A_14] : memref<100000x128xf32, #tpu.memory_space<hbm>> -> memref<100000x128xf32, #tpu.memory_space<hbm>>
    tpu.enqueue_indirect_dma source(%dma_start3A_15 : memref<100000x128xf32, #tpu.memory_space<hbm>>) target(%arg10 : memref<128x128xf32, #tpu.memory_space<vmem>>) offsets(%dma_start3A_12 : memref<128xi32, #tpu.memory_space<vmem>>) semaphore(%arg16 : memref<!tpu.dma_semaphore, #tpu.memory_space<semaphore_mem>>)
    %dma_start3A_16 = arith.constant 0 : i32
    %dma_start3A_17 = arith.constant 0 : i32
    %dma_start3A_18 = tpu.memref_slice %arg8[%dma_start3A_16, %dma_start3A_17] : memref<128x128xi32, #tpu.memory_space<vmem>> -> memref<1x128xi32, #tpu.memory_space<vmem>>
    %dma_start3A_19 = tpu.memref_squeeze %dma_start3A_18 : memref<1x128xi32, #tpu.memory_space<vmem>> -> memref<128xi32, #tpu.memory_space<vmem>>
    %dma_start3A_20 = arith.constant 0 : i32
    %dma_start3A_21 = arith.constant 0 : i32
    %dma_start3A_22 = tpu.memref_slice %arg5[%dma_start3A_20, %dma_start3A_21] : memref<513x64xi32, #tpu.memory_space<hbm>> -> memref<513x64xi32, #tpu.memory_space<hbm>>
    tpu.enqueue_indirect_dma source(%dma_start3A_22 : memref<513x64xi32, #tpu.memory_space<hbm>>) target(%arg13 : memref<128x64xi32, #tpu.memory_space<vmem>>) offsets(%dma_start3A_19 : memref<128xi32, #tpu.memory_space<vmem>>) semaphore(%arg19 : memref<!tpu.dma_semaphore, #tpu.memory_space<semaphore_mem>>)
    %scan3A = arith.constant 0 : i32
    %scan3A_23 = arith.constant 0 : i32
    %scan3A_24 = arith.constant 32 : i32
    %scan3A_25 = arith.addi %scan3A_23, %scan3A_24 : i32
    %scan3A_26 = arith.constant 1 : i32
    scf.for %scan3A_39 = %scan3A_23 to %scan3A_25 step %scan3A_26  : i32 {
      %mul3A_40 = arith.constant 4 : i32
      %mul3A_41 = arith.muli %scan3A_39, %mul3A_40 : i32
      %add3A_42 = arith.constant 0 : i32
      %add3A_43 = arith.addi %mul3A_41, %add3A_42 : i32
      %add3A_44 = arith.constant 2 : i32
      %add3A_45 = arith.addi %add3A_43, %add3A_44 : i32
      %lt3A = arith.constant 128 : i32
      %lt3A_46 = arith.cmpi slt, %add3A_45, %lt3A : i32
      %convert_element_type3A = arith.extui %lt3A_46 : i1 to i32
      %cond3A = arith.constant 0 : i32
      %cond3A_47 = arith.cmpi ne, %convert_element_type3A, %cond3A : i32
      scf.if %cond3A_47 {
        %ge3A = arith.constant 2 : i32
        %ge3A_207 = arith.cmpi sge, %add3A_43, %ge3A : i32
        %convert_element_type3A_208 = arith.extui %ge3A_207 : i1 to i32
        %cond3A_209 = arith.constant 0 : i32
        %cond3A_210 = arith.cmpi ne, %convert_element_type3A_208, %cond3A_209 : i32
        scf.if %cond3A_210 {
          %sub3A = arith.constant 2 : i32
          %sub3A_219 = arith.subi %add3A_43, %sub3A : i32
          %mul3A_220 = arith.constant 128 : i32
          %mul3A_221 = arith.muli %sub3A_219, %mul3A_220 : i32
          %add3A_222 = arith.addi %mul3A_2, %mul3A_221 : i32
          %dma_wait3A_223 = arith.constant 0 : i32
          %dma_wait3A_224 = tpu.memref_slice %arg6[%add3A_222, %dma_wait3A_223] : memref<524288x128xf32, #tpu.memory_space<hbm>> -> memref<128x128xf32, #tpu.memory_space<hbm>>
          %dma_wait3A_225 = arith.constant 0 : i32
          %dma_wait3A_226 = tpu.memref_slice %arg6[%add3A_222, %dma_wait3A_225] : memref<524288x128xf32, #tpu.memory_space<hbm>> -> memref<128x128xf32, #tpu.memory_space<hbm>>
          tpu.wait_dma2 semaphore(%arg23 : memref<!tpu.dma_semaphore, #tpu.memory_space<semaphore_mem>>) src(%arg11 : memref<128x128xf32, #tpu.memory_space<vmem>>) dst(%dma_wait3A_226 : memref<128x128xf32, #tpu.memory_space<hbm>>)
        } else {
        }
        %add3A_211 = arith.constant 2 : i32
        %add3A_212 = arith.addi %add3A_43, %add3A_211 : i32
        %dma_start3A_213 = arith.constant 0 : i32
        %dma_start3A_214 = tpu.memref_slice %arg7[%add3A_212, %dma_start3A_213] : memref<128x128xi32, #tpu.memory_space<vmem>> -> memref<1x128xi32, #tpu.memory_space<vmem>>
        %dma_start3A_215 = tpu.memref_squeeze %dma_start3A_214 : memref<1x128xi32, #tpu.memory_space<vmem>> -> memref<128xi32, #tpu.memory_space<vmem>>
        %dma_start3A_216 = arith.constant 0 : i32
        %dma_start3A_217 = arith.constant 0 : i32
        %dma_start3A_218 = tpu.memref_slice %arg4[%dma_start3A_216, %dma_start3A_217] : memref<100000x128xf32, #tpu.memory_space<hbm>> -> memref<100000x128xf32, #tpu.memory_space<hbm>>
        tpu.enqueue_indirect_dma source(%dma_start3A_218 : memref<100000x128xf32, #tpu.memory_space<hbm>>) target(%arg11 : memref<128x128xf32, #tpu.memory_space<vmem>>) offsets(%dma_start3A_215 : memref<128xi32, #tpu.memory_space<vmem>>) semaphore(%arg17 : memref<!tpu.dma_semaphore, #tpu.memory_space<semaphore_mem>>)
      } else {
      }
      %add3A_48 = arith.constant 1 : i32
      %add3A_49 = arith.addi %add3A_43, %add3A_48 : i32
      %lt3A_50 = arith.constant 128 : i32
      %lt3A_51 = arith.cmpi slt, %add3A_49, %lt3A_50 : i32
      %convert_element_type3A_52 = arith.extui %lt3A_51 : i1 to i32
      %cond3A_53 = arith.constant 0 : i32
      %cond3A_54 = arith.cmpi ne, %convert_element_type3A_52, %cond3A_53 : i32
      scf.if %cond3A_54 {
        %add3A_207 = arith.constant 1 : i32
        %add3A_208 = arith.addi %add3A_43, %add3A_207 : i32
        %dma_start3A_209 = arith.constant 0 : i32
        %dma_start3A_210 = tpu.memref_slice %arg8[%add3A_208, %dma_start3A_209] : memref<128x128xi32, #tpu.memory_space<vmem>> -> memref<1x128xi32, #tpu.memory_space<vmem>>
        %dma_start3A_211 = tpu.memref_squeeze %dma_start3A_210 : memref<1x128xi32, #tpu.memory_space<vmem>> -> memref<128xi32, #tpu.memory_space<vmem>>
        %dma_start3A_212 = arith.constant 0 : i32
        %dma_start3A_213 = arith.constant 0 : i32
        %dma_start3A_214 = tpu.memref_slice %arg5[%dma_start3A_212, %dma_start3A_213] : memref<513x64xi32, #tpu.memory_space<hbm>> -> memref<513x64xi32, #tpu.memory_space<hbm>>
        tpu.enqueue_indirect_dma source(%dma_start3A_214 : memref<513x64xi32, #tpu.memory_space<hbm>>) target(%arg14 : memref<128x64xi32, #tpu.memory_space<vmem>>) offsets(%dma_start3A_211 : memref<128xi32, #tpu.memory_space<vmem>>) semaphore(%arg20 : memref<!tpu.dma_semaphore, #tpu.memory_space<semaphore_mem>>)
      } else {
      }
      %dma_wait3A_55 = arith.constant 0 : i32
      %dma_wait3A_56 = tpu.memref_slice %arg7[%add3A_43, %dma_wait3A_55] : memref<128x128xi32, #tpu.memory_space<vmem>> -> memref<1x128xi32, #tpu.memory_space<vmem>>
      %dma_wait3A_57 = tpu.memref_squeeze %dma_wait3A_56 : memref<1x128xi32, #tpu.memory_space<vmem>> -> memref<128xi32, #tpu.memory_space<vmem>>
      %dma_wait3A_58 = arith.constant 0 : i32
      %dma_wait3A_59 = arith.constant 0 : i32
      %dma_wait3A_60 = tpu.memref_slice %arg4[%dma_wait3A_58, %dma_wait3A_59] : memref<100000x128xf32, #tpu.memory_space<hbm>> -> memref<100000x128xf32, #tpu.memory_space<hbm>>
      tpu.wait_indirect_dma semaphore(%arg15 : memref<!tpu.dma_semaphore, #tpu.memory_space<semaphore_mem>>) src(%dma_wait3A_60 : memref<100000x128xf32, #tpu.memory_space<hbm>>) dst(%arg9 : memref<128x128xf32, #tpu.memory_space<vmem>>)
      %dma_wait3A_61 = arith.constant 0 : i32
      %dma_wait3A_62 = tpu.memref_slice %arg8[%add3A_43, %dma_wait3A_61] : memref<128x128xi32, #tpu.memory_space<vmem>> -> memref<1x128xi32, #tpu.memory_space<vmem>>
      %dma_wait3A_63 = tpu.memref_squeeze %dma_wait3A_62 : memref<1x128xi32, #tpu.memory_space<vmem>> -> memref<128xi32, #tpu.memory_space<vmem>>
      %dma_wait3A_64 = arith.constant 0 : i32
      %dma_wait3A_65 = arith.constant 0 : i32
      %dma_wait3A_66 = tpu.memref_slice %arg5[%dma_wait3A_64, %dma_wait3A_65] : memref<513x64xi32, #tpu.memory_space<hbm>> -> memref<513x64xi32, #tpu.memory_space<hbm>>
      tpu.wait_indirect_dma semaphore(%arg19 : memref<!tpu.dma_semaphore, #tpu.memory_space<semaphore_mem>>) src(%dma_wait3A_66 : memref<513x64xi32, #tpu.memory_space<hbm>>) dst(%arg13 : memref<128x64xi32, #tpu.memory_space<vmem>>)
      %scan3A_67 = arith.constant 0 : i32
      %scan3A_68 = arith.constant -65536 : i32
      %scan3A_69 = arith.constant 0 : i32
      %scan3A_70 = arith.constant 128 : i32
      %scan3A_71 = arith.addi %scan3A_69, %scan3A_70 : i32
      %scan3A_72 = arith.constant 1 : i32
      scf.for %scan3A_207 = %scan3A_69 to %scan3A_71 step %scan3A_72  : i32 {
        %get3A = arith.index_cast %scan3A_207 : i32 to index
        %get3A_208 = arith.constant 0 : index
        %get3A_209 = tpu.vector_load %arg13[%get3A, %get3A_208] {strides = array<i32>} : memref<128x64xi32, #tpu.memory_space<vmem>>, vector<16xi32>,
        %get3A_210 = arith.index_cast %scan3A_207 : i32 to index
        %get3A_211 = arith.constant 0 : index
        %get3A_212 = tpu.vector_load %arg9[%get3A_210, %get3A_211] {strides = array<i32>} : memref<128x128xf32, #tpu.memory_space<vmem>>, vector<16xf32>,
        %shift_left3A = arith.constant 16 : i32
        %shift_left3A_213 = vector.broadcast %shift_left3A : i32 to vector<16xi32>
        %shift_left3A_214 = arith.shli %get3A_209, %shift_left3A_213 : vector<16xi32>
        %bitcast3A = vector.bitcast %shift_left3A_214 : vector<16xi32> to vector<16xf32>
        %add3A_215 = arith.addf %get3A_212, %bitcast3A : vector<16xf32>
        %swap3A = arith.index_cast %scan3A_207 : i32 to index
        %swap3A_216 = arith.constant 0 : index
        %swap3A_217 = tpu.vector_load %arg9[%swap3A, %swap3A_216] {strides = array<i32>} : memref<128x128xf32, #tpu.memory_space<vmem>>, vector<16xf32>,
        tpu.vector_store %arg9[%swap3A, %swap3A_216], %add3A_215 {strides = array<i32>} : memref<128x128xf32, #tpu.memory_space<vmem>>, vector<16xf32>,
        %get3A_218 = arith.index_cast %scan3A_207 : i32 to index
        %get3A_219 = arith.constant 16 : index
        %get3A_220 = tpu.vector_load %arg9[%get3A_218, %get3A_219] {strides = array<i32>} : memref<128x128xf32, #tpu.memory_space<vmem>>, vector<16xf32>,
        %and3A = vector.broadcast %scan3A_68 : i32 to vector<16xi32>
        %and3A_221 = arith.andi %get3A_209, %and3A : vector<16xi32>
        %bitcast3A_222 = vector.bitcast %and3A_221 : vector<16xi32> to vector<16xf32>
        %add3A_223 = arith.addf %get3A_220, %bitcast3A_222 : vector<16xf32>
        %swap3A_224 = arith.index_cast %scan3A_207 : i32 to index
        %swap3A_225 = arith.constant 16 : index
        %swap3A_226 = tpu.vector_load %arg9[%swap3A_224, %swap3A_225] {strides = array<i32>} : memref<128x128xf32, #tpu.memory_space<vmem>>, vector<16xf32>,
        tpu.vector_store %arg9[%swap3A_224, %swap3A_225], %add3A_223 {strides = array<i32>} : memref<128x128xf32, #tpu.memory_space<vmem>>, vector<16xf32>,
        %get3A_227 = arith.index_cast %scan3A_207 : i32 to index
        %get3A_228 = arith.constant 16 : index
        %get3A_229 = tpu.vector_load %arg13[%get3A_227, %get3A_228] {strides = array<i32>} : memref<128x64xi32, #tpu.memory_space<vmem>>, vector<16xi32>,
        %get3A_230 = arith.index_cast %scan3A_207 : i32 to index
        %get3A_231 = arith.constant 32 : index
        %get3A_232 = tpu.vector_load %arg9[%get3A_230, %get3A_231] {strides = array<i32>} : memref<128x128xf32, #tpu.memory_space<vmem>>, vector<16xf32>,
        %shift_left3A_233 = arith.constant 16 : i32
        %shift_left3A_234 = vector.broadcast %shift_left3A_233 : i32 to vector<16xi32>
        %shift_left3A_235 = arith.shli %get3A_229, %shift_left3A_234 : vector<16xi32>
        %bitcast3A_236 = vector.bitcast %shift_left3A_235 : vector<16xi32> to vector<16xf32>
        %add3A_237 = arith.addf %get3A_232, %bitcast3A_236 : vector<16xf32>
        %swap3A_238 = arith.index_cast %scan3A_207 : i32 to index
        %swap3A_239 = arith.constant 32 : index
        %swap3A_240 = tpu.vector_load %arg9[%swap3A_238, %swap3A_239] {strides = array<i32>} : memref<128x128xf32, #tpu.memory_space<vmem>>, vector<16xf32>,
        tpu.vector_store %arg9[%swap3A_238, %swap3A_239], %add3A_237 {strides = array<i32>} : memref<128x128xf32, #tpu.memory_space<vmem>>, vector<16xf32>,
        %get3A_241 = arith.index_cast %scan3A_207 : i32 to index
        %get3A_242 = arith.constant 48 : index
        %get3A_243 = tpu.vector_load %arg9[%get3A_241, %get3A_242] {strides = array<i32>} : memref<128x128xf32, #tpu.memory_space<vmem>>, vector<16xf32>,
        %and3A_244 = vector.broadcast %scan3A_68 : i32 to vector<16xi32>
        %and3A_245 = arith.andi %get3A_229, %and3A_244 : vector<16xi32>
        %bitcast3A_246 = vector.bitcast %and3A_245 : vector<16xi32> to vector<16xf32>
        %add3A_247 = arith.addf %get3A_243, %bitcast3A_246 : vector<16xf32>
        %swap3A_248 = arith.index_cast %scan3A_207 : i32 to index
        %swap3A_249 = arith.constant 48 : index
        %swap3A_250 = tpu.vector_load %arg9[%swap3A_248, %swap3A_249] {strides = array<i32>} : memref<128x128xf32, #tpu.memory_space<vmem>>, vector<16xf32>,
        tpu.vector_store %arg9[%swap3A_248, %swap3A_249], %add3A_247 {strides = array<i32>} : memref<128x128xf32, #tpu.memory_space<vmem>>, vector<16xf32>,
        %get3A_251 = arith.index_cast %scan3A_207 : i32 to index
        %get3A_252 = arith.constant 32 : index
        %get3A_253 = tpu.vector_load %arg13[%get3A_251, %get3A_252] {strides = array<i32>} : memref<128x64xi32, #tpu.memory_space<vmem>>, vector<16xi32>,
        %get3A_254 = arith.index_cast %scan3A_207 : i32 to index
        %get3A_255 = arith.constant 64 : index
        %get3A_256 = tpu.vector_load %arg9[%get3A_254, %get3A_255] {strides = array<i32>} : memref<128x128xf32, #tpu.memory_space<vmem>>, vector<16xf32>,
        %shift_left3A_257 = arith.constant 16 : i32
        %shift_left3A_258 = vector.broadcast %shift_left3A_257 : i32 to vector<16xi32>
        %shift_left3A_259 = arith.shli %get3A_253, %shift_left3A_258 : vector<16xi32>
        %bitcast3A_260 = vector.bitcast %shift_left3A_259 : vector<16xi32> to vector<16xf32>
        %add3A_261 = arith.addf %get3A_256, %bitcast3A_260 : vector<16xf32>
        %swap3A_262 = arith.index_cast %scan3A_207 : i32 to index
        %swap3A_263 = arith.constant 64 : index
        %swap3A_264 = tpu.vector_load %arg9[%swap3A_262, %swap3A_263] {strides = array<i32>} : memref<128x128xf32, #tpu.memory_space<vmem>>, vector<16xf32>,
        tpu.vector_store %arg9[%swap3A_262, %swap3A_263], %add3A_261 {strides = array<i32>} : memref<128x128xf32, #tpu.memory_space<vmem>>, vector<16xf32>,
        %get3A_265 = arith.index_cast %scan3A_207 : i32 to index
        %get3A_266 = arith.constant 80 : index
        %get3A_267 = tpu.vector_load %arg9[%get3A_265, %get3A_266] {strides = array<i32>} : memref<128x128xf32, #tpu.memory_space<vmem>>, vector<16xf32>,
        %and3A_268 = vector.broadcast %scan3A_68 : i32 to vector<16xi32>
        %and3A_269 = arith.andi %get3A_253, %and3A_268 : vector<16xi32>
        %bitcast3A_270 = vector.bitcast %and3A_269 : vector<16xi32> to vector<16xf32>
        %add3A_271 = arith.addf %get3A_267, %bitcast3A_270 : vector<16xf32>
        %swap3A_272 = arith.index_cast %scan3A_207 : i32 to index
        %swap3A_273 = arith.constant 80 : index
        %swap3A_274 = tpu.vector_load %arg9[%swap3A_272, %swap3A_273] {strides = array<i32>} : memref<128x128xf32, #tpu.memory_space<vmem>>, vector<16xf32>,
        tpu.vector_store %arg9[%swap3A_272, %swap3A_273], %add3A_271 {strides = array<i32>} : memref<128x128xf32, #tpu.memory_space<vmem>>, vector<16xf32>,
        %get3A_275 = arith.index_cast %scan3A_207 : i32 to index
        %get3A_276 = arith.constant 48 : index
        %get3A_277 = tpu.vector_load %arg13[%get3A_275, %get3A_276] {strides = array<i32>} : memref<128x64xi32, #tpu.memory_space<vmem>>, vector<16xi32>,
        %get3A_278 = arith.index_cast %scan3A_207 : i32 to index
        %get3A_279 = arith.constant 96 : index
        %get3A_280 = tpu.vector_load %arg9[%get3A_278, %get3A_279] {strides = array<i32>} : memref<128x128xf32, #tpu.memory_space<vmem>>, vector<16xf32>,
        %shift_left3A_281 = arith.constant 16 : i32
        %shift_left3A_282 = vector.broadcast %shift_left3A_281 : i32 to vector<16xi32>
        %shift_left3A_283 = arith.shli %get3A_277, %shift_left3A_282 : vector<16xi32>
        %bitcast3A_284 = vector.bitcast %shift_left3A_283 : vector<16xi32> to vector<16xf32>
        %add3A_285 = arith.addf %get3A_280, %bitcast3A_284 : vector<16xf32>
        %swap3A_286 = arith.index_cast %scan3A_207 : i32 to index
        %swap3A_287 = arith.constant 96 : index
        %swap3A_288 = tpu.vector_load %arg9[%swap3A_286, %swap3A_287] {strides = array<i32>} : memref<128x128xf32, #tpu.memory_space<vmem>>, vector<16xf32>,
        tpu.vector_store %arg9[%swap3A_286, %swap3A_287], %add3A_285 {strides = array<i32>} : memref<128x128xf32, #tpu.memory_space<vmem>>, vector<16xf32>,
        %get3A_289 = arith.index_cast %scan3A_207 : i32 to index
        %get3A_290 = arith.constant 112 : index
        %get3A_291 = tpu.vector_load %arg9[%get3A_289, %get3A_290] {strides = array<i32>} : memref<128x128xf32, #tpu.memory_space<vmem>>, vector<16xf32>,
        %and3A_292 = vector.broadcast %scan3A_68 : i32 to vector<16xi32>
        %and3A_293 = arith.andi %get3A_277, %and3A_292 : vector<16xi32>
        %bitcast3A_294 = vector.bitcast %and3A_293 : vector<16xi32> to vector<16xf32>
        %add3A_295 = arith.addf %get3A_291, %bitcast3A_294 : vector<16xf32>
        %swap3A_296 = arith.index_cast %scan3A_207 : i32 to index
        %swap3A_297 = arith.constant 112 : index
        %swap3A_298 = tpu.vector_load %arg9[%swap3A_296, %swap3A_297] {strides = array<i32>} : memref<128x128xf32, #tpu.memory_space<vmem>>, vector<16xf32>,
        tpu.vector_store %arg9[%swap3A_296, %swap3A_297], %add3A_295 {strides = array<i32>} : memref<128x128xf32, #tpu.memory_space<vmem>>, vector<16xf32>,
      }
      %scan3A_73 = arith.constant 128 : i32
      %mul3A_74 = arith.constant 128 : i32
      %mul3A_75 = arith.muli %add3A_43, %mul3A_74 : i32
      %add3A_76 = arith.addi %mul3A_2, %mul3A_75 : i32
      %dma_start3A_77 = arith.constant 0 : i32
      %dma_start3A_78 = tpu.memref_slice %arg6[%add3A_76, %dma_start3A_77] : memref<524288x128xf32, #tpu.memory_space<hbm>> -> memref<128x128xf32, #tpu.memory_space<hbm>>
      %dma_start3A_79 = arith.constant 0 : i32
      %dma_start3A_80 = tpu.memref_slice %arg6[%add3A_76, %dma_start3A_79] : memref<524288x128xf32, #tpu.memory_space<hbm>> -> memref<128x128xf32, #tpu.memory_space<hbm>>
      tpu.enqueue_dma source(%arg9 : memref<128x128xf32, #tpu.memory_space<vmem>>) target(%dma_start3A_80 : memref<128x128xf32, #tpu.memory_space<hbm>>) target_semaphore(%arg21 : memref<!tpu.dma_semaphore, #tpu.memory_space<semaphore_mem>>)
      %add3A_81 = arith.constant 1 : i32
      %add3A_82 = arith.addi %mul3A_41, %add3A_81 : i32
      %add3A_83 = arith.constant 2 : i32
      %add3A_84 = arith.addi %add3A_82, %add3A_83 : i32
      %lt3A_85 = arith.constant 128 : i32
      %lt3A_86 = arith.cmpi slt, %add3A_84, %lt3A_85 : i32
      %convert_element_type3A_87 = arith.extui %lt3A_86 : i1 to i32
      %cond3A_88 = arith.constant 0 : i32
      %cond3A_89 = arith.cmpi ne, %convert_element_type3A_87, %cond3A_88 : i32
      scf.if %cond3A_89 {
        %ge3A = arith.constant 2 : i32
        %ge3A_207 = arith.cmpi sge, %add3A_82, %ge3A : i32
        %convert_element_type3A_208 = arith.extui %ge3A_207 : i1 to i32
        %cond3A_209 = arith.constant 0 : i32
        %cond3A_210 = arith.cmpi ne, %convert_element_type3A_208, %cond3A_209 : i32
        scf.if %cond3A_210 {
          %sub3A = arith.constant 2 : i32
          %sub3A_219 = arith.subi %add3A_82, %sub3A : i32
          %mul3A_220 = arith.constant 128 : i32
          %mul3A_221 = arith.muli %sub3A_219, %mul3A_220 : i32
          %add3A_222 = arith.addi %mul3A_2, %mul3A_221 : i32
          %dma_wait3A_223 = arith.constant 0 : i32
          %dma_wait3A_224 = tpu.memref_slice %arg6[%add3A_222, %dma_wait3A_223] : memref<524288x128xf32, #tpu.memory_space<hbm>> -> memref<128x128xf32, #tpu.memory_space<hbm>>
          %dma_wait3A_225 = arith.constant 0 : i32
          %dma_wait3A_226 = tpu.memref_slice %arg6[%add3A_222, %dma_wait3A_225] : memref<524288x128xf32, #tpu.memory_space<hbm>> -> memref<128x128xf32, #tpu.memory_space<hbm>>
          tpu.wait_dma2 semaphore(%arg24 : memref<!tpu.dma_semaphore, #tpu.memory_space<semaphore_mem>>) src(%arg12 : memref<128x128xf32, #tpu.memory_space<vmem>>) dst(%dma_wait3A_226 : memref<128x128xf32, #tpu.memory_space<hbm>>)
        } else {
        }
        %add3A_211 = arith.constant 2 : i32
        %add3A_212 = arith.addi %add3A_82, %add3A_211 : i32
        %dma_start3A_213 = arith.constant 0 : i32
        %dma_start3A_214 = tpu.memref_slice %arg7[%add3A_212, %dma_start3A_213] : memref<128x128xi32, #tpu.memory_space<vmem>> -> memref<1x128xi32, #tpu.memory_space<vmem>>
        %dma_start3A_215 = tpu.memref_squeeze %dma_start3A_214 : memref<1x128xi32, #tpu.memory_space<vmem>> -> memref<128xi32, #tpu.memory_space<vmem>>
        %dma_start3A_216 = arith.constant 0 : i32
        %dma_start3A_217 = arith.constant 0 : i32
        %dma_start3A_218 = tpu.memref_slice %arg4[%dma_start3A_216, %dma_start3A_217] : memref<100000x128xf32, #tpu.memory_space<hbm>> -> memref<100000x128xf32, #tpu.memory_space<hbm>>
        tpu.enqueue_indirect_dma source(%dma_start3A_218 : memref<100000x128xf32, #tpu.memory_space<hbm>>) target(%arg12 : memref<128x128xf32, #tpu.memory_space<vmem>>) offsets(%dma_start3A_215 : memref<128xi32, #tpu.memory_space<vmem>>) semaphore(%arg18 : memref<!tpu.dma_semaphore, #tpu.memory_space<semaphore_mem>>)
      } else {
      }
      %add3A_90 = arith.constant 1 : i32
      %add3A_91 = arith.addi %add3A_82, %add3A_90 : i32
      %lt3A_92 = arith.constant 128 : i32
      %lt3A_93 = arith.cmpi slt, %add3A_91, %lt3A_92 : i32
      %convert_element_type3A_94 = arith.extui %lt3A_93 : i1 to i32
      %cond3A_95 = arith.constant 0 : i32
      %cond3A_96 = arith.cmpi ne, %convert_element_type3A_94, %cond3A_95 : i32
      scf.if %cond3A_96 {
        %add3A_207 = arith.constant 1 : i32
        %add3A_208 = arith.addi %add3A_82, %add3A_207 : i32
        %dma_start3A_209 = arith.constant 0 : i32
        %dma_start3A_210 = tpu.memref_slice %arg8[%add3A_208, %dma_start3A_209] : memref<128x128xi32, #tpu.memory_space<vmem>> -> memref<1x128xi32, #tpu.memory_space<vmem>>
        %dma_start3A_211 = tpu.memref_squeeze %dma_start3A_210 : memref<1x128xi32, #tpu.memory_space<vmem>> -> memref<128xi32, #tpu.memory_space<vmem>>
        %dma_start3A_212 = arith.constant 0 : i32
        %dma_start3A_213 = arith.constant 0 : i32
        %dma_start3A_214 = tpu.memref_slice %arg5[%dma_start3A_212, %dma_start3A_213] : memref<513x64xi32, #tpu.memory_space<hbm>> -> memref<513x64xi32, #tpu.memory_space<hbm>>
        tpu.enqueue_indirect_dma source(%dma_start3A_214 : memref<513x64xi32, #tpu.memory_space<hbm>>) target(%arg13 : memref<128x64xi32, #tpu.memory_space<vmem>>) offsets(%dma_start3A_211 : memref<128xi32, #tpu.memory_space<vmem>>) semaphore(%arg19 : memref<!tpu.dma_semaphore, #tpu.memory_space<semaphore_mem>>)
      } else {
      }
      %dma_wait3A_97 = arith.constant 0 : i32
      %dma_wait3A_98 = tpu.memref_slice %arg7[%add3A_82, %dma_wait3A_97] : memref<128x128xi32, #tpu.memory_space<vmem>> -> memref<1x128xi32, #tpu.memory_space<vmem>>
      %dma_wait3A_99 = tpu.memref_squeeze %dma_wait3A_98 : memref<1x128xi32, #tpu.memory_space<vmem>> -> memref<128xi32, #tpu.memory_space<vmem>>
      %dma_wait3A_100 = arith.constant 0 : i32
      %dma_wait3A_101 = arith.constant 0 : i32
      %dma_wait3A_102 = tpu.memref_slice %arg4[%dma_wait3A_100, %dma_wait3A_101] : memref<100000x128xf32, #tpu.memory_space<hbm>> -> memref<100000x128xf32, #tpu.memory_space<hbm>>
      tpu.wait_indirect_dma semaphore(%arg16 : memref<!tpu.dma_semaphore, #tpu.memory_space<semaphore_mem>>) src(%dma_wait3A_102 : memref<100000x128xf32, #tpu.memory_space<hbm>>) dst(%arg10 : memref<128x128xf32, #tpu.memory_space<vmem>>)
      %dma_wait3A_103 = arith.constant 0 : i32
      %dma_wait3A_104 = tpu.memref_slice %arg8[%add3A_82, %dma_wait3A_103] : memref<128x128xi32, #tpu.memory_space<vmem>> -> memref<1x128xi32, #tpu.memory_space<vmem>>
      %dma_wait3A_105 = tpu.memref_squeeze %dma_wait3A_104 : memref<1x128xi32, #tpu.memory_space<vmem>> -> memref<128xi32, #tpu.memory_space<vmem>>
      %dma_wait3A_106 = arith.constant 0 : i32
      %dma_wait3A_107 = arith.constant 0 : i32
      %dma_wait3A_108 = tpu.memref_slice %arg5[%dma_wait3A_106, %dma_wait3A_107] : memref<513x64xi32, #tpu.memory_space<hbm>> -> memref<513x64xi32, #tpu.memory_space<hbm>>
      tpu.wait_indirect_dma semaphore(%arg20 : memref<!tpu.dma_semaphore, #tpu.memory_space<semaphore_mem>>) src(%dma_wait3A_108 : memref<513x64xi32, #tpu.memory_space<hbm>>) dst(%arg14 : memref<128x64xi32, #tpu.memory_space<vmem>>)
      %scan3A_109 = arith.constant 0 : i32
      %scan3A_110 = arith.constant -65536 : i32
      %scan3A_111 = arith.constant 0 : i32
      %scan3A_112 = arith.constant 128 : i32
      %scan3A_113 = arith.addi %scan3A_111, %scan3A_112 : i32
      %scan3A_114 = arith.constant 1 : i32
      scf.for %scan3A_207 = %scan3A_111 to %scan3A_113 step %scan3A_114  : i32 {
        %get3A = arith.index_cast %scan3A_207 : i32 to index
        %get3A_208 = arith.constant 0 : index
        %get3A_209 = tpu.vector_load %arg14[%get3A, %get3A_208] {strides = array<i32>} : memref<128x64xi32, #tpu.memory_space<vmem>>, vector<16xi32>,
        %get3A_210 = arith.index_cast %scan3A_207 : i32 to index
        %get3A_211 = arith.constant 0 : index
        %get3A_212 = tpu.vector_load %arg10[%get3A_210, %get3A_211] {strides = array<i32>} : memref<128x128xf32, #tpu.memory_space<vmem>>, vector<16xf32>,
        %shift_left3A = arith.constant 16 : i32
        %shift_left3A_213 = vector.broadcast %shift_left3A : i32 to vector<16xi32>
        %shift_left3A_214 = arith.shli %get3A_209, %shift_left3A_213 : vector<16xi32>
        %bitcast3A = vector.bitcast %shift_left3A_214 : vector<16xi32> to vector<16xf32>
        %add3A_215 = arith.addf %get3A_212, %bitcast3A : vector<16xf32>
        %swap3A = arith.index_cast %scan3A_207 : i32 to index
        %swap3A_216 = arith.constant 0 : index
        %swap3A_217 = tpu.vector_load %arg10[%swap3A, %swap3A_216] {strides = array<i32>} : memref<128x128xf32, #tpu.memory_space<vmem>>, vector<16xf32>,
        tpu.vector_store %arg10[%swap3A, %swap3A_216], %add3A_215 {strides = array<i32>} : memref<128x128xf32, #tpu.memory_space<vmem>>, vector<16xf32>,
        %get3A_218 = arith.index_cast %scan3A_207 : i32 to index
        %get3A_219 = arith.constant 16 : index
        %get3A_220 = tpu.vector_load %arg10[%get3A_218, %get3A_219] {strides = array<i32>} : memref<128x128xf32, #tpu.memory_space<vmem>>, vector<16xf32>,
        %and3A = vector.broadcast %scan3A_110 : i32 to vector<16xi32>
        %and3A_221 = arith.andi %get3A_209, %and3A : vector<16xi32>
        %bitcast3A_222 = vector.bitcast %and3A_221 : vector<16xi32> to vector<16xf32>
        %add3A_223 = arith.addf %get3A_220, %bitcast3A_222 : vector<16xf32>
        %swap3A_224 = arith.index_cast %scan3A_207 : i32 to index
        %swap3A_225 = arith.constant 16 : index
        %swap3A_226 = tpu.vector_load %arg10[%swap3A_224, %swap3A_225] {strides = array<i32>} : memref<128x128xf32, #tpu.memory_space<vmem>>, vector<16xf32>,
        tpu.vector_store %arg10[%swap3A_224, %swap3A_225], %add3A_223 {strides = array<i32>} : memref<128x128xf32, #tpu.memory_space<vmem>>, vector<16xf32>,
        %get3A_227 = arith.index_cast %scan3A_207 : i32 to index
        %get3A_228 = arith.constant 16 : index
        %get3A_229 = tpu.vector_load %arg14[%get3A_227, %get3A_228] {strides = array<i32>} : memref<128x64xi32, #tpu.memory_space<vmem>>, vector<16xi32>,
        %get3A_230 = arith.index_cast %scan3A_207 : i32 to index
        %get3A_231 = arith.constant 32 : index
        %get3A_232 = tpu.vector_load %arg10[%get3A_230, %get3A_231] {strides = array<i32>} : memref<128x128xf32, #tpu.memory_space<vmem>>, vector<16xf32>,
        %shift_left3A_233 = arith.constant 16 : i32
        %shift_left3A_234 = vector.broadcast %shift_left3A_233 : i32 to vector<16xi32>
        %shift_left3A_235 = arith.shli %get3A_229, %shift_left3A_234 : vector<16xi32>
        %bitcast3A_236 = vector.bitcast %shift_left3A_235 : vector<16xi32> to vector<16xf32>
        %add3A_237 = arith.addf %get3A_232, %bitcast3A_236 : vector<16xf32>
        %swap3A_238 = arith.index_cast %scan3A_207 : i32 to index
        %swap3A_239 = arith.constant 32 : index
        %swap3A_240 = tpu.vector_load %arg10[%swap3A_238, %swap3A_239] {strides = array<i32>} : memref<128x128xf32, #tpu.memory_space<vmem>>, vector<16xf32>,
        tpu.vector_store %arg10[%swap3A_238, %swap3A_239], %add3A_237 {strides = array<i32>} : memref<128x128xf32, #tpu.memory_space<vmem>>, vector<16xf32>,
        %get3A_241 = arith.index_cast %scan3A_207 : i32 to index
        %get3A_242 = arith.constant 48 : index
        %get3A_243 = tpu.vector_load %arg10[%get3A_241, %get3A_242] {strides = array<i32>} : memref<128x128xf32, #tpu.memory_space<vmem>>, vector<16xf32>,
        %and3A_244 = vector.broadcast %scan3A_110 : i32 to vector<16xi32>
        %and3A_245 = arith.andi %get3A_229, %and3A_244 : vector<16xi32>
        %bitcast3A_246 = vector.bitcast %and3A_245 : vector<16xi32> to vector<16xf32>
        %add3A_247 = arith.addf %get3A_243, %bitcast3A_246 : vector<16xf32>
        %swap3A_248 = arith.index_cast %scan3A_207 : i32 to index
        %swap3A_249 = arith.constant 48 : index
        %swap3A_250 = tpu.vector_load %arg10[%swap3A_248, %swap3A_249] {strides = array<i32>} : memref<128x128xf32, #tpu.memory_space<vmem>>, vector<16xf32>,
        tpu.vector_store %arg10[%swap3A_248, %swap3A_249], %add3A_247 {strides = array<i32>} : memref<128x128xf32, #tpu.memory_space<vmem>>, vector<16xf32>,
        %get3A_251 = arith.index_cast %scan3A_207 : i32 to index
        %get3A_252 = arith.constant 32 : index
        %get3A_253 = tpu.vector_load %arg14[%get3A_251, %get3A_252] {strides = array<i32>} : memref<128x64xi32, #tpu.memory_space<vmem>>, vector<16xi32>,
        %get3A_254 = arith.index_cast %scan3A_207 : i32 to index
        %get3A_255 = arith.constant 64 : index
        %get3A_256 = tpu.vector_load %arg10[%get3A_254, %get3A_255] {strides = array<i32>} : memref<128x128xf32, #tpu.memory_space<vmem>>, vector<16xf32>,
        %shift_left3A_257 = arith.constant 16 : i32
        %shift_left3A_258 = vector.broadcast %shift_left3A_257 : i32 to vector<16xi32>
        %shift_left3A_259 = arith.shli %get3A_253, %shift_left3A_258 : vector<16xi32>
        %bitcast3A_260 = vector.bitcast %shift_left3A_259 : vector<16xi32> to vector<16xf32>
        %add3A_261 = arith.addf %get3A_256, %bitcast3A_260 : vector<16xf32>
        %swap3A_262 = arith.index_cast %scan3A_207 : i32 to index
        %swap3A_263 = arith.constant 64 : index
        %swap3A_264 = tpu.vector_load %arg10[%swap3A_262, %swap3A_263] {strides = array<i32>} : memref<128x128xf32, #tpu.memory_space<vmem>>, vector<16xf32>,
        tpu.vector_store %arg10[%swap3A_262, %swap3A_263], %add3A_261 {strides = array<i32>} : memref<128x128xf32, #tpu.memory_space<vmem>>, vector<16xf32>,
        %get3A_265 = arith.index_cast %scan3A_207 : i32 to index
        %get3A_266 = arith.constant 80 : index
        %get3A_267 = tpu.vector_load %arg10[%get3A_265, %get3A_266] {strides = array<i32>} : memref<128x128xf32, #tpu.memory_space<vmem>>, vector<16xf32>,
        %and3A_268 = vector.broadcast %scan3A_110 : i32 to vector<16xi32>
        %and3A_269 = arith.andi %get3A_253, %and3A_268 : vector<16xi32>
        %bitcast3A_270 = vector.bitcast %and3A_269 : vector<16xi32> to vector<16xf32>
        %add3A_271 = arith.addf %get3A_267, %bitcast3A_270 : vector<16xf32>
        %swap3A_272 = arith.index_cast %scan3A_207 : i32 to index
        %swap3A_273 = arith.constant 80 : index
        %swap3A_274 = tpu.vector_load %arg10[%swap3A_272, %swap3A_273] {strides = array<i32>} : memref<128x128xf32, #tpu.memory_space<vmem>>, vector<16xf32>,
        tpu.vector_store %arg10[%swap3A_272, %swap3A_273], %add3A_271 {strides = array<i32>} : memref<128x128xf32, #tpu.memory_space<vmem>>, vector<16xf32>,
        %get3A_275 = arith.index_cast %scan3A_207 : i32 to index
        %get3A_276 = arith.constant 48 : index
        %get3A_277 = tpu.vector_load %arg14[%get3A_275, %get3A_276] {strides = array<i32>} : memref<128x64xi32, #tpu.memory_space<vmem>>, vector<16xi32>,
        %get3A_278 = arith.index_cast %scan3A_207 : i32 to index
        %get3A_279 = arith.constant 96 : index
        %get3A_280 = tpu.vector_load %arg10[%get3A_278, %get3A_279] {strides = array<i32>} : memref<128x128xf32, #tpu.memory_space<vmem>>, vector<16xf32>,
        %shift_left3A_281 = arith.constant 16 : i32
        %shift_left3A_282 = vector.broadcast %shift_left3A_281 : i32 to vector<16xi32>
        %shift_left3A_283 = arith.shli %get3A_277, %shift_left3A_282 : vector<16xi32>
        %bitcast3A_284 = vector.bitcast %shift_left3A_283 : vector<16xi32> to vector<16xf32>
        %add3A_285 = arith.addf %get3A_280, %bitcast3A_284 : vector<16xf32>
        %swap3A_286 = arith.index_cast %scan3A_207 : i32 to index
        %swap3A_287 = arith.constant 96 : index
        %swap3A_288 = tpu.vector_load %arg10[%swap3A_286, %swap3A_287] {strides = array<i32>} : memref<128x128xf32, #tpu.memory_space<vmem>>, vector<16xf32>,
        tpu.vector_store %arg10[%swap3A_286, %swap3A_287], %add3A_285 {strides = array<i32>} : memref<128x128xf32, #tpu.memory_space<vmem>>, vector<16xf32>,
        %get3A_289 = arith.index_cast %scan3A_207 : i32 to index
        %get3A_290 = arith.constant 112 : index
        %get3A_291 = tpu.vector_load %arg10[%get3A_289, %get3A_290] {strides = array<i32>} : memref<128x128xf32, #tpu.memory_space<vmem>>, vector<16xf32>,
        %and3A_292 = vector.broadcast %scan3A_110 : i32 to vector<16xi32>
        %and3A_293 = arith.andi %get3A_277, %and3A_292 : vector<16xi32>
        %bitcast3A_294 = vector.bitcast %and3A_293 : vector<16xi32> to vector<16xf32>
        %add3A_295 = arith.addf %get3A_291, %bitcast3A_294 : vector<16xf32>
        %swap3A_296 = arith.index_cast %scan3A_207 : i32 to index
        %swap3A_297 = arith.constant 112 : index
        %swap3A_298 = tpu.vector_load %arg10[%swap3A_296, %swap3A_297] {strides = array<i32>} : memref<128x128xf32, #tpu.memory_space<vmem>>, vector<16xf32>,
        tpu.vector_store %arg10[%swap3A_296, %swap3A_297], %add3A_295 {strides = array<i32>} : memref<128x128xf32, #tpu.memory_space<vmem>>, vector<16xf32>,
      }
      %scan3A_115 = arith.constant 128 : i32
      %mul3A_116 = arith.constant 128 : i32
      %mul3A_117 = arith.muli %add3A_82, %mul3A_116 : i32
      %add3A_118 = arith.addi %mul3A_2, %mul3A_117 : i32
      %dma_start3A_119 = arith.constant 0 : i32
      %dma_start3A_120 = tpu.memref_slice %arg6[%add3A_118, %dma_start3A_119] : memref<524288x128xf32, #tpu.memory_space<hbm>> -> memref<128x128xf32, #tpu.memory_space<hbm>>
      %dma_start3A_121 = arith.constant 0 : i32
      %dma_start3A_122 = tpu.memref_slice %arg6[%add3A_118, %dma_start3A_121] : memref<524288x128xf32, #tpu.memory_space<hbm>> -> memref<128x128xf32, #tpu.memory_space<hbm>>
      tpu.enqueue_dma source(%arg10 : memref<128x128xf32, #tpu.memory_space<vmem>>) target(%dma_start3A_122 : memref<128x128xf32, #tpu.memory_space<hbm>>) target_semaphore(%arg22 : memref<!tpu.dma_semaphore, #tpu.memory_space<semaphore_mem>>)
      %add3A_123 = arith.constant 2 : i32
      %add3A_124 = arith.addi %mul3A_41, %add3A_123 : i32
      %add3A_125 = arith.constant 2 : i32
      %add3A_126 = arith.addi %add3A_124, %add3A_125 : i32
      %lt3A_127 = arith.constant 128 : i32
      %lt3A_128 = arith.cmpi slt, %add3A_126, %lt3A_127 : i32
      %convert_element_type3A_129 = arith.extui %lt3A_128 : i1 to i32
      %cond3A_130 = arith.constant 0 : i32
      %cond3A_131 = arith.cmpi ne, %convert_element_type3A_129, %cond3A_130 : i32
      scf.if %cond3A_131 {
        %ge3A = arith.constant 2 : i32
        %ge3A_207 = arith.cmpi sge, %add3A_124, %ge3A : i32
        %convert_element_type3A_208 = arith.extui %ge3A_207 : i1 to i32
        %cond3A_209 = arith.constant 0 : i32
        %cond3A_210 = arith.cmpi ne, %convert_element_type3A_208, %cond3A_209 : i32
        scf.if %cond3A_210 {
          %sub3A = arith.constant 2 : i32
          %sub3A_219 = arith.subi %add3A_124, %sub3A : i32
          %mul3A_220 = arith.constant 128 : i32
          %mul3A_221 = arith.muli %sub3A_219, %mul3A_220 : i32
          %add3A_222 = arith.addi %mul3A_2, %mul3A_221 : i32
          %dma_wait3A_223 = arith.constant 0 : i32
          %dma_wait3A_224 = tpu.memref_slice %arg6[%add3A_222, %dma_wait3A_223] : memref<524288x128xf32, #tpu.memory_space<hbm>> -> memref<128x128xf32, #tpu.memory_space<hbm>>
          %dma_wait3A_225 = arith.constant 0 : i32
          %dma_wait3A_226 = tpu.memref_slice %arg6[%add3A_222, %dma_wait3A_225] : memref<524288x128xf32, #tpu.memory_space<hbm>> -> memref<128x128xf32, #tpu.memory_space<hbm>>
          tpu.wait_dma2 semaphore(%arg21 : memref<!tpu.dma_semaphore, #tpu.memory_space<semaphore_mem>>) src(%arg9 : memref<128x128xf32, #tpu.memory_space<vmem>>) dst(%dma_wait3A_226 : memref<128x128xf32, #tpu.memory_space<hbm>>)
        } else {
        }
        %add3A_211 = arith.constant 2 : i32
        %add3A_212 = arith.addi %add3A_124, %add3A_211 : i32
        %dma_start3A_213 = arith.constant 0 : i32
        %dma_start3A_214 = tpu.memref_slice %arg7[%add3A_212, %dma_start3A_213] : memref<128x128xi32, #tpu.memory_space<vmem>> -> memref<1x128xi32, #tpu.memory_space<vmem>>
        %dma_start3A_215 = tpu.memref_squeeze %dma_start3A_214 : memref<1x128xi32, #tpu.memory_space<vmem>> -> memref<128xi32, #tpu.memory_space<vmem>>
        %dma_start3A_216 = arith.constant 0 : i32
        %dma_start3A_217 = arith.constant 0 : i32
        %dma_start3A_218 = tpu.memref_slice %arg4[%dma_start3A_216, %dma_start3A_217] : memref<100000x128xf32, #tpu.memory_space<hbm>> -> memref<100000x128xf32, #tpu.memory_space<hbm>>
        tpu.enqueue_indirect_dma source(%dma_start3A_218 : memref<100000x128xf32, #tpu.memory_space<hbm>>) target(%arg9 : memref<128x128xf32, #tpu.memory_space<vmem>>) offsets(%dma_start3A_215 : memref<128xi32, #tpu.memory_space<vmem>>) semaphore(%arg15 : memref<!tpu.dma_semaphore, #tpu.memory_space<semaphore_mem>>)
      } else {
      }
      %add3A_132 = arith.constant 1 : i32
      %add3A_133 = arith.addi %add3A_124, %add3A_132 : i32
      %lt3A_134 = arith.constant 128 : i32
      %lt3A_135 = arith.cmpi slt, %add3A_133, %lt3A_134 : i32
      %convert_element_type3A_136 = arith.extui %lt3A_135 : i1 to i32
      %cond3A_137 = arith.constant 0 : i32
      %cond3A_138 = arith.cmpi ne, %convert_element_type3A_136, %cond3A_137 : i32
      scf.if %cond3A_138 {
        %add3A_207 = arith.constant 1 : i32
        %add3A_208 = arith.addi %add3A_124, %add3A_207 : i32
        %dma_start3A_209 = arith.constant 0 : i32
        %dma_start3A_210 = tpu.memref_slice %arg8[%add3A_208, %dma_start3A_209] : memref<128x128xi32, #tpu.memory_space<vmem>> -> memref<1x128xi32, #tpu.memory_space<vmem>>
        %dma_start3A_211 = tpu.memref_squeeze %dma_start3A_210 : memref<1x128xi32, #tpu.memory_space<vmem>> -> memref<128xi32, #tpu.memory_space<vmem>>
        %dma_start3A_212 = arith.constant 0 : i32
        %dma_start3A_213 = arith.constant 0 : i32
        %dma_start3A_214 = tpu.memref_slice %arg5[%dma_start3A_212, %dma_start3A_213] : memref<513x64xi32, #tpu.memory_space<hbm>> -> memref<513x64xi32, #tpu.memory_space<hbm>>
        tpu.enqueue_indirect_dma source(%dma_start3A_214 : memref<513x64xi32, #tpu.memory_space<hbm>>) target(%arg14 : memref<128x64xi32, #tpu.memory_space<vmem>>) offsets(%dma_start3A_211 : memref<128xi32, #tpu.memory_space<vmem>>) semaphore(%arg20 : memref<!tpu.dma_semaphore, #tpu.memory_space<semaphore_mem>>)
      } else {
      }
      %dma_wait3A_139 = arith.constant 0 : i32
      %dma_wait3A_140 = tpu.memref_slice %arg7[%add3A_124, %dma_wait3A_139] : memref<128x128xi32, #tpu.memory_space<vmem>> -> memref<1x128xi32, #tpu.memory_space<vmem>>
      %dma_wait3A_141 = tpu.memref_squeeze %dma_wait3A_140 : memref<1x128xi32, #tpu.memory_space<vmem>> -> memref<128xi32, #tpu.memory_space<vmem>>
      %dma_wait3A_142 = arith.constant 0 : i32
      %dma_wait3A_143 = arith.constant 0 : i32
      %dma_wait3A_144 = tpu.memref_slice %arg4[%dma_wait3A_142, %dma_wait3A_143] : memref<100000x128xf32, #tpu.memory_space<hbm>> -> memref<100000x128xf32, #tpu.memory_space<hbm>>
      tpu.wait_indirect_dma semaphore(%arg17 : memref<!tpu.dma_semaphore, #tpu.memory_space<semaphore_mem>>) src(%dma_wait3A_144 : memref<100000x128xf32, #tpu.memory_space<hbm>>) dst(%arg11 : memref<128x128xf32, #tpu.memory_space<vmem>>)
      %dma_wait3A_145 = arith.constant 0 : i32
      %dma_wait3A_146 = tpu.memref_slice %arg8[%add3A_124, %dma_wait3A_145] : memref<128x128xi32, #tpu.memory_space<vmem>> -> memref<1x128xi32, #tpu.memory_space<vmem>>
      %dma_wait3A_147 = tpu.memref_squeeze %dma_wait3A_146 : memref<1x128xi32, #tpu.memory_space<vmem>> -> memref<128xi32, #tpu.memory_space<vmem>>
      %dma_wait3A_148 = arith.constant 0 : i32
      %dma_wait3A_149 = arith.constant 0 : i32
      %dma_wait3A_150 = tpu.memref_slice %arg5[%dma_wait3A_148, %dma_wait3A_149] : memref<513x64xi32, #tpu.memory_space<hbm>> -> memref<513x64xi32, #tpu.memory_space<hbm>>
      tpu.wait_indirect_dma semaphore(%arg19 : memref<!tpu.dma_semaphore, #tpu.memory_space<semaphore_mem>>) src(%dma_wait3A_150 : memref<513x64xi32, #tpu.memory_space<hbm>>) dst(%arg13 : memref<128x64xi32, #tpu.memory_space<vmem>>)
      %scan3A_151 = arith.constant 0 : i32
      %scan3A_152 = arith.constant -65536 : i32
      %scan3A_153 = arith.constant 0 : i32
      %scan3A_154 = arith.constant 128 : i32
      %scan3A_155 = arith.addi %scan3A_153, %scan3A_154 : i32
      %scan3A_156 = arith.constant 1 : i32
      scf.for %scan3A_207 = %scan3A_153 to %scan3A_155 step %scan3A_156  : i32 {
        %get3A = arith.index_cast %scan3A_207 : i32 to index
        %get3A_208 = arith.constant 0 : index
        %get3A_209 = tpu.vector_load %arg13[%get3A, %get3A_208] {strides = array<i32>} : memref<128x64xi32, #tpu.memory_space<vmem>>, vector<16xi32>,
        %get3A_210 = arith.index_cast %scan3A_207 : i32 to index
        %get3A_211 = arith.constant 0 : index
        %get3A_212 = tpu.vector_load %arg11[%get3A_210, %get3A_211] {strides = array<i32>} : memref<128x128xf32, #tpu.memory_space<vmem>>, vector<16xf32>,
        %shift_left3A = arith.constant 16 : i32
        %shift_left3A_213 = vector.broadcast %shift_left3A : i32 to vector<16xi32>
        %shift_left3A_214 = arith.shli %get3A_209, %shift_left3A_213 : vector<16xi32>
        %bitcast3A = vector.bitcast %shift_left3A_214 : vector<16xi32> to vector<16xf32>
        %add3A_215 = arith.addf %get3A_212, %bitcast3A : vector<16xf32>
        %swap3A = arith.index_cast %scan3A_207 : i32 to index
        %swap3A_216 = arith.constant 0 : index
        %swap3A_217 = tpu.vector_load %arg11[%swap3A, %swap3A_216] {strides = array<i32>} : memref<128x128xf32, #tpu.memory_space<vmem>>, vector<16xf32>,
        tpu.vector_store %arg11[%swap3A, %swap3A_216], %add3A_215 {strides = array<i32>} : memref<128x128xf32, #tpu.memory_space<vmem>>, vector<16xf32>,
        %get3A_218 = arith.index_cast %scan3A_207 : i32 to index
        %get3A_219 = arith.constant 16 : index
        %get3A_220 = tpu.vector_load %arg11[%get3A_218, %get3A_219] {strides = array<i32>} : memref<128x128xf32, #tpu.memory_space<vmem>>, vector<16xf32>,
        %and3A = vector.broadcast %scan3A_152 : i32 to vector<16xi32>
        %and3A_221 = arith.andi %get3A_209, %and3A : vector<16xi32>
        %bitcast3A_222 = vector.bitcast %and3A_221 : vector<16xi32> to vector<16xf32>
        %add3A_223 = arith.addf %get3A_220, %bitcast3A_222 : vector<16xf32>
        %swap3A_224 = arith.index_cast %scan3A_207 : i32 to index
        %swap3A_225 = arith.constant 16 : index
        %swap3A_226 = tpu.vector_load %arg11[%swap3A_224, %swap3A_225] {strides = array<i32>} : memref<128x128xf32, #tpu.memory_space<vmem>>, vector<16xf32>,
        tpu.vector_store %arg11[%swap3A_224, %swap3A_225], %add3A_223 {strides = array<i32>} : memref<128x128xf32, #tpu.memory_space<vmem>>, vector<16xf32>,
        %get3A_227 = arith.index_cast %scan3A_207 : i32 to index
        %get3A_228 = arith.constant 16 : index
        %get3A_229 = tpu.vector_load %arg13[%get3A_227, %get3A_228] {strides = array<i32>} : memref<128x64xi32, #tpu.memory_space<vmem>>, vector<16xi32>,
        %get3A_230 = arith.index_cast %scan3A_207 : i32 to index
        %get3A_231 = arith.constant 32 : index
        %get3A_232 = tpu.vector_load %arg11[%get3A_230, %get3A_231] {strides = array<i32>} : memref<128x128xf32, #tpu.memory_space<vmem>>, vector<16xf32>,
        %shift_left3A_233 = arith.constant 16 : i32
        %shift_left3A_234 = vector.broadcast %shift_left3A_233 : i32 to vector<16xi32>
        %shift_left3A_235 = arith.shli %get3A_229, %shift_left3A_234 : vector<16xi32>
        %bitcast3A_236 = vector.bitcast %shift_left3A_235 : vector<16xi32> to vector<16xf32>
        %add3A_237 = arith.addf %get3A_232, %bitcast3A_236 : vector<16xf32>
        %swap3A_238 = arith.index_cast %scan3A_207 : i32 to index
        %swap3A_239 = arith.constant 32 : index
        %swap3A_240 = tpu.vector_load %arg11[%swap3A_238, %swap3A_239] {strides = array<i32>} : memref<128x128xf32, #tpu.memory_space<vmem>>, vector<16xf32>,
        tpu.vector_store %arg11[%swap3A_238, %swap3A_239], %add3A_237 {strides = array<i32>} : memref<128x128xf32, #tpu.memory_space<vmem>>, vector<16xf32>,
        %get3A_241 = arith.index_cast %scan3A_207 : i32 to index
        %get3A_242 = arith.constant 48 : index
        %get3A_243 = tpu.vector_load %arg11[%get3A_241, %get3A_242] {strides = array<i32>} : memref<128x128xf32, #tpu.memory_space<vmem>>, vector<16xf32>,
        %and3A_244 = vector.broadcast %scan3A_152 : i32 to vector<16xi32>
        %and3A_245 = arith.andi %get3A_229, %and3A_244 : vector<16xi32>
        %bitcast3A_246 = vector.bitcast %and3A_245 : vector<16xi32> to vector<16xf32>
        %add3A_247 = arith.addf %get3A_243, %bitcast3A_246 : vector<16xf32>
        %swap3A_248 = arith.index_cast %scan3A_207 : i32 to index
        %swap3A_249 = arith.constant 48 : index
        %swap3A_250 = tpu.vector_load %arg11[%swap3A_248, %swap3A_249] {strides = array<i32>} : memref<128x128xf32, #tpu.memory_space<vmem>>, vector<16xf32>,
        tpu.vector_store %arg11[%swap3A_248, %swap3A_249], %add3A_247 {strides = array<i32>} : memref<128x128xf32, #tpu.memory_space<vmem>>, vector<16xf32>,
        %get3A_251 = arith.index_cast %scan3A_207 : i32 to index
        %get3A_252 = arith.constant 32 : index
        %get3A_253 = tpu.vector_load %arg13[%get3A_251, %get3A_252] {strides = array<i32>} : memref<128x64xi32, #tpu.memory_space<vmem>>, vector<16xi32>,
        %get3A_254 = arith.index_cast %scan3A_207 : i32 to index
        %get3A_255 = arith.constant 64 : index
        %get3A_256 = tpu.vector_load %arg11[%get3A_254, %get3A_255] {strides = array<i32>} : memref<128x128xf32, #tpu.memory_space<vmem>>, vector<16xf32>,
        %shift_left3A_257 = arith.constant 16 : i32
        %shift_left3A_258 = vector.broadcast %shift_left3A_257 : i32 to vector<16xi32>
        %shift_left3A_259 = arith.shli %get3A_253, %shift_left3A_258 : vector<16xi32>
        %bitcast3A_260 = vector.bitcast %shift_left3A_259 : vector<16xi32> to vector<16xf32>
        %add3A_261 = arith.addf %get3A_256, %bitcast3A_260 : vector<16xf32>
        %swap3A_262 = arith.index_cast %scan3A_207 : i32 to index
        %swap3A_263 = arith.constant 64 : index
        %swap3A_264 = tpu.vector_load %arg11[%swap3A_262, %swap3A_263] {strides = array<i32>} : memref<128x128xf32, #tpu.memory_space<vmem>>, vector<16xf32>,
        tpu.vector_store %arg11[%swap3A_262, %swap3A_263], %add3A_261 {strides = array<i32>} : memref<128x128xf32, #tpu.memory_space<vmem>>, vector<16xf32>,
        %get3A_265 = arith.index_cast %scan3A_207 : i32 to index
        %get3A_266 = arith.constant 80 : index
        %get3A_267 = tpu.vector_load %arg11[%get3A_265, %get3A_266] {strides = array<i32>} : memref<128x128xf32, #tpu.memory_space<vmem>>, vector<16xf32>,
        %and3A_268 = vector.broadcast %scan3A_152 : i32 to vector<16xi32>
        %and3A_269 = arith.andi %get3A_253, %and3A_268 : vector<16xi32>
        %bitcast3A_270 = vector.bitcast %and3A_269 : vector<16xi32> to vector<16xf32>
        %add3A_271 = arith.addf %get3A_267, %bitcast3A_270 : vector<16xf32>
        %swap3A_272 = arith.index_cast %scan3A_207 : i32 to index
        %swap3A_273 = arith.constant 80 : index
        %swap3A_274 = tpu.vector_load %arg11[%swap3A_272, %swap3A_273] {strides = array<i32>} : memref<128x128xf32, #tpu.memory_space<vmem>>, vector<16xf32>,
        tpu.vector_store %arg11[%swap3A_272, %swap3A_273], %add3A_271 {strides = array<i32>} : memref<128x128xf32, #tpu.memory_space<vmem>>, vector<16xf32>,
        %get3A_275 = arith.index_cast %scan3A_207 : i32 to index
        %get3A_276 = arith.constant 48 : index
        %get3A_277 = tpu.vector_load %arg13[%get3A_275, %get3A_276] {strides = array<i32>} : memref<128x64xi32, #tpu.memory_space<vmem>>, vector<16xi32>,
        %get3A_278 = arith.index_cast %scan3A_207 : i32 to index
        %get3A_279 = arith.constant 96 : index
        %get3A_280 = tpu.vector_load %arg11[%get3A_278, %get3A_279] {strides = array<i32>} : memref<128x128xf32, #tpu.memory_space<vmem>>, vector<16xf32>,
        %shift_left3A_281 = arith.constant 16 : i32
        %shift_left3A_282 = vector.broadcast %shift_left3A_281 : i32 to vector<16xi32>
        %shift_left3A_283 = arith.shli %get3A_277, %shift_left3A_282 : vector<16xi32>
        %bitcast3A_284 = vector.bitcast %shift_left3A_283 : vector<16xi32> to vector<16xf32>
        %add3A_285 = arith.addf %get3A_280, %bitcast3A_284 : vector<16xf32>
        %swap3A_286 = arith.index_cast %scan3A_207 : i32 to index
        %swap3A_287 = arith.constant 96 : index
        %swap3A_288 = tpu.vector_load %arg11[%swap3A_286, %swap3A_287] {strides = array<i32>} : memref<128x128xf32, #tpu.memory_space<vmem>>, vector<16xf32>,
        tpu.vector_store %arg11[%swap3A_286, %swap3A_287], %add3A_285 {strides = array<i32>} : memref<128x128xf32, #tpu.memory_space<vmem>>, vector<16xf32>,
        %get3A_289 = arith.index_cast %scan3A_207 : i32 to index
        %get3A_290 = arith.constant 112 : index
        %get3A_291 = tpu.vector_load %arg11[%get3A_289, %get3A_290] {strides = array<i32>} : memref<128x128xf32, #tpu.memory_space<vmem>>, vector<16xf32>,
        %and3A_292 = vector.broadcast %scan3A_152 : i32 to vector<16xi32>
        %and3A_293 = arith.andi %get3A_277, %and3A_292 : vector<16xi32>
        %bitcast3A_294 = vector.bitcast %and3A_293 : vector<16xi32> to vector<16xf32>
        %add3A_295 = arith.addf %get3A_291, %bitcast3A_294 : vector<16xf32>
        %swap3A_296 = arith.index_cast %scan3A_207 : i32 to index
        %swap3A_297 = arith.constant 112 : index
        %swap3A_298 = tpu.vector_load %arg11[%swap3A_296, %swap3A_297] {strides = array<i32>} : memref<128x128xf32, #tpu.memory_space<vmem>>, vector<16xf32>,
        tpu.vector_store %arg11[%swap3A_296, %swap3A_297], %add3A_295 {strides = array<i32>} : memref<128x128xf32, #tpu.memory_space<vmem>>, vector<16xf32>,
      }
      %scan3A_157 = arith.constant 128 : i32
      %mul3A_158 = arith.constant 128 : i32
      %mul3A_159 = arith.muli %add3A_124, %mul3A_158 : i32
      %add3A_160 = arith.addi %mul3A_2, %mul3A_159 : i32
      %dma_start3A_161 = arith.constant 0 : i32
      %dma_start3A_162 = tpu.memref_slice %arg6[%add3A_160, %dma_start3A_161] : memref<524288x128xf32, #tpu.memory_space<hbm>> -> memref<128x128xf32, #tpu.memory_space<hbm>>
      %dma_start3A_163 = arith.constant 0 : i32
      %dma_start3A_164 = tpu.memref_slice %arg6[%add3A_160, %dma_start3A_163] : memref<524288x128xf32, #tpu.memory_space<hbm>> -> memref<128x128xf32, #tpu.memory_space<hbm>>
      tpu.enqueue_dma source(%arg11 : memref<128x128xf32, #tpu.memory_space<vmem>>) target(%dma_start3A_164 : memref<128x128xf32, #tpu.memory_space<hbm>>) target_semaphore(%arg23 : memref<!tpu.dma_semaphore, #tpu.memory_space<semaphore_mem>>)
      %add3A_165 = arith.constant 3 : i32
      %add3A_166 = arith.addi %mul3A_41, %add3A_165 : i32
      %add3A_167 = arith.constant 2 : i32
      %add3A_168 = arith.addi %add3A_166, %add3A_167 : i32
      %lt3A_169 = arith.constant 128 : i32
      %lt3A_170 = arith.cmpi slt, %add3A_168, %lt3A_169 : i32
      %convert_element_type3A_171 = arith.extui %lt3A_170 : i1 to i32
      %cond3A_172 = arith.constant 0 : i32
      %cond3A_173 = arith.cmpi ne, %convert_element_type3A_171, %cond3A_172 : i32
      scf.if %cond3A_173 {
        %ge3A = arith.constant 2 : i32
        %ge3A_207 = arith.cmpi sge, %add3A_166, %ge3A : i32
        %convert_element_type3A_208 = arith.extui %ge3A_207 : i1 to i32
        %cond3A_209 = arith.constant 0 : i32
        %cond3A_210 = arith.cmpi ne, %convert_element_type3A_208, %cond3A_209 : i32
        scf.if %cond3A_210 {
          %sub3A = arith.constant 2 : i32
          %sub3A_219 = arith.subi %add3A_166, %sub3A : i32
          %mul3A_220 = arith.constant 128 : i32
          %mul3A_221 = arith.muli %sub3A_219, %mul3A_220 : i32
          %add3A_222 = arith.addi %mul3A_2, %mul3A_221 : i32
          %dma_wait3A_223 = arith.constant 0 : i32
          %dma_wait3A_224 = tpu.memref_slice %arg6[%add3A_222, %dma_wait3A_223] : memref<524288x128xf32, #tpu.memory_space<hbm>> -> memref<128x128xf32, #tpu.memory_space<hbm>>
          %dma_wait3A_225 = arith.constant 0 : i32
          %dma_wait3A_226 = tpu.memref_slice %arg6[%add3A_222, %dma_wait3A_225] : memref<524288x128xf32, #tpu.memory_space<hbm>> -> memref<128x128xf32, #tpu.memory_space<hbm>>
          tpu.wait_dma2 semaphore(%arg22 : memref<!tpu.dma_semaphore, #tpu.memory_space<semaphore_mem>>) src(%arg10 : memref<128x128xf32, #tpu.memory_space<vmem>>) dst(%dma_wait3A_226 : memref<128x128xf32, #tpu.memory_space<hbm>>)
        } else {
        }
        %add3A_211 = arith.constant 2 : i32
        %add3A_212 = arith.addi %add3A_166, %add3A_211 : i32
        %dma_start3A_213 = arith.constant 0 : i32
        %dma_start3A_214 = tpu.memref_slice %arg7[%add3A_212, %dma_start3A_213] : memref<128x128xi32, #tpu.memory_space<vmem>> -> memref<1x128xi32, #tpu.memory_space<vmem>>
        %dma_start3A_215 = tpu.memref_squeeze %dma_start3A_214 : memref<1x128xi32, #tpu.memory_space<vmem>> -> memref<128xi32, #tpu.memory_space<vmem>>
        %dma_start3A_216 = arith.constant 0 : i32
        %dma_start3A_217 = arith.constant 0 : i32
        %dma_start3A_218 = tpu.memref_slice %arg4[%dma_start3A_216, %dma_start3A_217] : memref<100000x128xf32, #tpu.memory_space<hbm>> -> memref<100000x128xf32, #tpu.memory_space<hbm>>
        tpu.enqueue_indirect_dma source(%dma_start3A_218 : memref<100000x128xf32, #tpu.memory_space<hbm>>) target(%arg10 : memref<128x128xf32, #tpu.memory_space<vmem>>) offsets(%dma_start3A_215 : memref<128xi32, #tpu.memory_space<vmem>>) semaphore(%arg16 : memref<!tpu.dma_semaphore, #tpu.memory_space<semaphore_mem>>)
      } else {
      }
      %add3A_174 = arith.constant 1 : i32
      %add3A_175 = arith.addi %add3A_166, %add3A_174 : i32
      %lt3A_176 = arith.constant 128 : i32
      %lt3A_177 = arith.cmpi slt, %add3A_175, %lt3A_176 : i32
      %convert_element_type3A_178 = arith.extui %lt3A_177 : i1 to i32
      %cond3A_179 = arith.constant 0 : i32
      %cond3A_180 = arith.cmpi ne, %convert_element_type3A_178, %cond3A_179 : i32
      scf.if %cond3A_180 {
        %add3A_207 = arith.constant 1 : i32
        %add3A_208 = arith.addi %add3A_166, %add3A_207 : i32
        %dma_start3A_209 = arith.constant 0 : i32
        %dma_start3A_210 = tpu.memref_slice %arg8[%add3A_208, %dma_start3A_209] : memref<128x128xi32, #tpu.memory_space<vmem>> -> memref<1x128xi32, #tpu.memory_space<vmem>>
        %dma_start3A_211 = tpu.memref_squeeze %dma_start3A_210 : memref<1x128xi32, #tpu.memory_space<vmem>> -> memref<128xi32, #tpu.memory_space<vmem>>
        %dma_start3A_212 = arith.constant 0 : i32
        %dma_start3A_213 = arith.constant 0 : i32
        %dma_start3A_214 = tpu.memref_slice %arg5[%dma_start3A_212, %dma_start3A_213] : memref<513x64xi32, #tpu.memory_space<hbm>> -> memref<513x64xi32, #tpu.memory_space<hbm>>
        tpu.enqueue_indirect_dma source(%dma_start3A_214 : memref<513x64xi32, #tpu.memory_space<hbm>>) target(%arg13 : memref<128x64xi32, #tpu.memory_space<vmem>>) offsets(%dma_start3A_211 : memref<128xi32, #tpu.memory_space<vmem>>) semaphore(%arg19 : memref<!tpu.dma_semaphore, #tpu.memory_space<semaphore_mem>>)
      } else {
      }
      %dma_wait3A_181 = arith.constant 0 : i32
      %dma_wait3A_182 = tpu.memref_slice %arg7[%add3A_166, %dma_wait3A_181] : memref<128x128xi32, #tpu.memory_space<vmem>> -> memref<1x128xi32, #tpu.memory_space<vmem>>
      %dma_wait3A_183 = tpu.memref_squeeze %dma_wait3A_182 : memref<1x128xi32, #tpu.memory_space<vmem>> -> memref<128xi32, #tpu.memory_space<vmem>>
      %dma_wait3A_184 = arith.constant 0 : i32
      %dma_wait3A_185 = arith.constant 0 : i32
      %dma_wait3A_186 = tpu.memref_slice %arg4[%dma_wait3A_184, %dma_wait3A_185] : memref<100000x128xf32, #tpu.memory_space<hbm>> -> memref<100000x128xf32, #tpu.memory_space<hbm>>
      tpu.wait_indirect_dma semaphore(%arg18 : memref<!tpu.dma_semaphore, #tpu.memory_space<semaphore_mem>>) src(%dma_wait3A_186 : memref<100000x128xf32, #tpu.memory_space<hbm>>) dst(%arg12 : memref<128x128xf32, #tpu.memory_space<vmem>>)
      %dma_wait3A_187 = arith.constant 0 : i32
      %dma_wait3A_188 = tpu.memref_slice %arg8[%add3A_166, %dma_wait3A_187] : memref<128x128xi32, #tpu.memory_space<vmem>> -> memref<1x128xi32, #tpu.memory_space<vmem>>
      %dma_wait3A_189 = tpu.memref_squeeze %dma_wait3A_188 : memref<1x128xi32, #tpu.memory_space<vmem>> -> memref<128xi32, #tpu.memory_space<vmem>>
      %dma_wait3A_190 = arith.constant 0 : i32
      %dma_wait3A_191 = arith.constant 0 : i32
      %dma_wait3A_192 = tpu.memref_slice %arg5[%dma_wait3A_190, %dma_wait3A_191] : memref<513x64xi32, #tpu.memory_space<hbm>> -> memref<513x64xi32, #tpu.memory_space<hbm>>
      tpu.wait_indirect_dma semaphore(%arg20 : memref<!tpu.dma_semaphore, #tpu.memory_space<semaphore_mem>>) src(%dma_wait3A_192 : memref<513x64xi32, #tpu.memory_space<hbm>>) dst(%arg14 : memref<128x64xi32, #tpu.memory_space<vmem>>)
      %scan3A_193 = arith.constant 0 : i32
      %scan3A_194 = arith.constant -65536 : i32
      %scan3A_195 = arith.constant 0 : i32
      %scan3A_196 = arith.constant 128 : i32
      %scan3A_197 = arith.addi %scan3A_195, %scan3A_196 : i32
      %scan3A_198 = arith.constant 1 : i32
      scf.for %scan3A_207 = %scan3A_195 to %scan3A_197 step %scan3A_198  : i32 {
        %get3A = arith.index_cast %scan3A_207 : i32 to index
        %get3A_208 = arith.constant 0 : index
        %get3A_209 = tpu.vector_load %arg14[%get3A, %get3A_208] {strides = array<i32>} : memref<128x64xi32, #tpu.memory_space<vmem>>, vector<16xi32>,
        %get3A_210 = arith.index_cast %scan3A_207 : i32 to index
        %get3A_211 = arith.constant 0 : index
        %get3A_212 = tpu.vector_load %arg12[%get3A_210, %get3A_211] {strides = array<i32>} : memref<128x128xf32, #tpu.memory_space<vmem>>, vector<16xf32>,
        %shift_left3A = arith.constant 16 : i32
        %shift_left3A_213 = vector.broadcast %shift_left3A : i32 to vector<16xi32>
        %shift_left3A_214 = arith.shli %get3A_209, %shift_left3A_213 : vector<16xi32>
        %bitcast3A = vector.bitcast %shift_left3A_214 : vector<16xi32> to vector<16xf32>
        %add3A_215 = arith.addf %get3A_212, %bitcast3A : vector<16xf32>
        %swap3A = arith.index_cast %scan3A_207 : i32 to index
        %swap3A_216 = arith.constant 0 : index
        %swap3A_217 = tpu.vector_load %arg12[%swap3A, %swap3A_216] {strides = array<i32>} : memref<128x128xf32, #tpu.memory_space<vmem>>, vector<16xf32>,
        tpu.vector_store %arg12[%swap3A, %swap3A_216], %add3A_215 {strides = array<i32>} : memref<128x128xf32, #tpu.memory_space<vmem>>, vector<16xf32>,
        %get3A_218 = arith.index_cast %scan3A_207 : i32 to index
        %get3A_219 = arith.constant 16 : index
        %get3A_220 = tpu.vector_load %arg12[%get3A_218, %get3A_219] {strides = array<i32>} : memref<128x128xf32, #tpu.memory_space<vmem>>, vector<16xf32>,
        %and3A = vector.broadcast %scan3A_194 : i32 to vector<16xi32>
        %and3A_221 = arith.andi %get3A_209, %and3A : vector<16xi32>
        %bitcast3A_222 = vector.bitcast %and3A_221 : vector<16xi32> to vector<16xf32>
        %add3A_223 = arith.addf %get3A_220, %bitcast3A_222 : vector<16xf32>
        %swap3A_224 = arith.index_cast %scan3A_207 : i32 to index
        %swap3A_225 = arith.constant 16 : index
        %swap3A_226 = tpu.vector_load %arg12[%swap3A_224, %swap3A_225] {strides = array<i32>} : memref<128x128xf32, #tpu.memory_space<vmem>>, vector<16xf32>,
        tpu.vector_store %arg12[%swap3A_224, %swap3A_225], %add3A_223 {strides = array<i32>} : memref<128x128xf32, #tpu.memory_space<vmem>>, vector<16xf32>,
        %get3A_227 = arith.index_cast %scan3A_207 : i32 to index
        %get3A_228 = arith.constant 16 : index
        %get3A_229 = tpu.vector_load %arg14[%get3A_227, %get3A_228] {strides = array<i32>} : memref<128x64xi32, #tpu.memory_space<vmem>>, vector<16xi32>,
        %get3A_230 = arith.index_cast %scan3A_207 : i32 to index
        %get3A_231 = arith.constant 32 : index
        %get3A_232 = tpu.vector_load %arg12[%get3A_230, %get3A_231] {strides = array<i32>} : memref<128x128xf32, #tpu.memory_space<vmem>>, vector<16xf32>,
        %shift_left3A_233 = arith.constant 16 : i32
        %shift_left3A_234 = vector.broadcast %shift_left3A_233 : i32 to vector<16xi32>
        %shift_left3A_235 = arith.shli %get3A_229, %shift_left3A_234 : vector<16xi32>
        %bitcast3A_236 = vector.bitcast %shift_left3A_235 : vector<16xi32> to vector<16xf32>
        %add3A_237 = arith.addf %get3A_232, %bitcast3A_236 : vector<16xf32>
        %swap3A_238 = arith.index_cast %scan3A_207 : i32 to index
        %swap3A_239 = arith.constant 32 : index
        %swap3A_240 = tpu.vector_load %arg12[%swap3A_238, %swap3A_239] {strides = array<i32>} : memref<128x128xf32, #tpu.memory_space<vmem>>, vector<16xf32>,
        tpu.vector_store %arg12[%swap3A_238, %swap3A_239], %add3A_237 {strides = array<i32>} : memref<128x128xf32, #tpu.memory_space<vmem>>, vector<16xf32>,
        %get3A_241 = arith.index_cast %scan3A_207 : i32 to index
        %get3A_242 = arith.constant 48 : index
        %get3A_243 = tpu.vector_load %arg12[%get3A_241, %get3A_242] {strides = array<i32>} : memref<128x128xf32, #tpu.memory_space<vmem>>, vector<16xf32>,
        %and3A_244 = vector.broadcast %scan3A_194 : i32 to vector<16xi32>
        %and3A_245 = arith.andi %get3A_229, %and3A_244 : vector<16xi32>
        %bitcast3A_246 = vector.bitcast %and3A_245 : vector<16xi32> to vector<16xf32>
        %add3A_247 = arith.addf %get3A_243, %bitcast3A_246 : vector<16xf32>
        %swap3A_248 = arith.index_cast %scan3A_207 : i32 to index
        %swap3A_249 = arith.constant 48 : index
        %swap3A_250 = tpu.vector_load %arg12[%swap3A_248, %swap3A_249] {strides = array<i32>} : memref<128x128xf32, #tpu.memory_space<vmem>>, vector<16xf32>,
        tpu.vector_store %arg12[%swap3A_248, %swap3A_249], %add3A_247 {strides = array<i32>} : memref<128x128xf32, #tpu.memory_space<vmem>>, vector<16xf32>,
        %get3A_251 = arith.index_cast %scan3A_207 : i32 to index
        %get3A_252 = arith.constant 32 : index
        %get3A_253 = tpu.vector_load %arg14[%get3A_251, %get3A_252] {strides = array<i32>} : memref<128x64xi32, #tpu.memory_space<vmem>>, vector<16xi32>,
        %get3A_254 = arith.index_cast %scan3A_207 : i32 to index
        %get3A_255 = arith.constant 64 : index
        %get3A_256 = tpu.vector_load %arg12[%get3A_254, %get3A_255] {strides = array<i32>} : memref<128x128xf32, #tpu.memory_space<vmem>>, vector<16xf32>,
        %shift_left3A_257 = arith.constant 16 : i32
        %shift_left3A_258 = vector.broadcast %shift_left3A_257 : i32 to vector<16xi32>
        %shift_left3A_259 = arith.shli %get3A_253, %shift_left3A_258 : vector<16xi32>
        %bitcast3A_260 = vector.bitcast %shift_left3A_259 : vector<16xi32> to vector<16xf32>
        %add3A_261 = arith.addf %get3A_256, %bitcast3A_260 : vector<16xf32>
        %swap3A_262 = arith.index_cast %scan3A_207 : i32 to index
        %swap3A_263 = arith.constant 64 : index
        %swap3A_264 = tpu.vector_load %arg12[%swap3A_262, %swap3A_263] {strides = array<i32>} : memref<128x128xf32, #tpu.memory_space<vmem>>, vector<16xf32>,
        tpu.vector_store %arg12[%swap3A_262, %swap3A_263], %add3A_261 {strides = array<i32>} : memref<128x128xf32, #tpu.memory_space<vmem>>, vector<16xf32>,
        %get3A_265 = arith.index_cast %scan3A_207 : i32 to index
        %get3A_266 = arith.constant 80 : index
        %get3A_267 = tpu.vector_load %arg12[%get3A_265, %get3A_266] {strides = array<i32>} : memref<128x128xf32, #tpu.memory_space<vmem>>, vector<16xf32>,
        %and3A_268 = vector.broadcast %scan3A_194 : i32 to vector<16xi32>
        %and3A_269 = arith.andi %get3A_253, %and3A_268 : vector<16xi32>
        %bitcast3A_270 = vector.bitcast %and3A_269 : vector<16xi32> to vector<16xf32>
        %add3A_271 = arith.addf %get3A_267, %bitcast3A_270 : vector<16xf32>
        %swap3A_272 = arith.index_cast %scan3A_207 : i32 to index
        %swap3A_273 = arith.constant 80 : index
        %swap3A_274 = tpu.vector_load %arg12[%swap3A_272, %swap3A_273] {strides = array<i32>} : memref<128x128xf32, #tpu.memory_space<vmem>>, vector<16xf32>,
        tpu.vector_store %arg12[%swap3A_272, %swap3A_273], %add3A_271 {strides = array<i32>} : memref<128x128xf32, #tpu.memory_space<vmem>>, vector<16xf32>,
        %get3A_275 = arith.index_cast %scan3A_207 : i32 to index
        %get3A_276 = arith.constant 48 : index
        %get3A_277 = tpu.vector_load %arg14[%get3A_275, %get3A_276] {strides = array<i32>} : memref<128x64xi32, #tpu.memory_space<vmem>>, vector<16xi32>,
        %get3A_278 = arith.index_cast %scan3A_207 : i32 to index
        %get3A_279 = arith.constant 96 : index
        %get3A_280 = tpu.vector_load %arg12[%get3A_278, %get3A_279] {strides = array<i32>} : memref<128x128xf32, #tpu.memory_space<vmem>>, vector<16xf32>,
        %shift_left3A_281 = arith.constant 16 : i32
        %shift_left3A_282 = vector.broadcast %shift_left3A_281 : i32 to vector<16xi32>
        %shift_left3A_283 = arith.shli %get3A_277, %shift_left3A_282 : vector<16xi32>
        %bitcast3A_284 = vector.bitcast %shift_left3A_283 : vector<16xi32> to vector<16xf32>
        %add3A_285 = arith.addf %get3A_280, %bitcast3A_284 : vector<16xf32>
        %swap3A_286 = arith.index_cast %scan3A_207 : i32 to index
        %swap3A_287 = arith.constant 96 : index
        %swap3A_288 = tpu.vector_load %arg12[%swap3A_286, %swap3A_287] {strides = array<i32>} : memref<128x128xf32, #tpu.memory_space<vmem>>, vector<16xf32>,
        tpu.vector_store %arg12[%swap3A_286, %swap3A_287], %add3A_285 {strides = array<i32>} : memref<128x128xf32, #tpu.memory_space<vmem>>, vector<16xf32>,
        %get3A_289 = arith.index_cast %scan3A_207 : i32 to index
        %get3A_290 = arith.constant 112 : index
        %get3A_291 = tpu.vector_load %arg12[%get3A_289, %get3A_290] {strides = array<i32>} : memref<128x128xf32, #tpu.memory_space<vmem>>, vector<16xf32>,
        %and3A_292 = vector.broadcast %scan3A_194 : i32 to vector<16xi32>
        %and3A_293 = arith.andi %get3A_277, %and3A_292 : vector<16xi32>
        %bitcast3A_294 = vector.bitcast %and3A_293 : vector<16xi32> to vector<16xf32>
        %add3A_295 = arith.addf %get3A_291, %bitcast3A_294 : vector<16xf32>
        %swap3A_296 = arith.index_cast %scan3A_207 : i32 to index
        %swap3A_297 = arith.constant 112 : index
        %swap3A_298 = tpu.vector_load %arg12[%swap3A_296, %swap3A_297] {strides = array<i32>} : memref<128x128xf32, #tpu.memory_space<vmem>>, vector<16xf32>,
        tpu.vector_store %arg12[%swap3A_296, %swap3A_297], %add3A_295 {strides = array<i32>} : memref<128x128xf32, #tpu.memory_space<vmem>>, vector<16xf32>,
      }
      %scan3A_199 = arith.constant 128 : i32
      %mul3A_200 = arith.constant 128 : i32
      %mul3A_201 = arith.muli %add3A_166, %mul3A_200 : i32
      %add3A_202 = arith.addi %mul3A_2, %mul3A_201 : i32
      %dma_start3A_203 = arith.constant 0 : i32
      %dma_start3A_204 = tpu.memref_slice %arg6[%add3A_202, %dma_start3A_203] : memref<524288x128xf32, #tpu.memory_space<hbm>> -> memref<128x128xf32, #tpu.memory_space<hbm>>
      %dma_start3A_205 = arith.constant 0 : i32
      %dma_start3A_206 = tpu.memref_slice %arg6[%add3A_202, %dma_start3A_205] : memref<524288x128xf32, #tpu.memory_space<hbm>> -> memref<128x128xf32, #tpu.memory_space<hbm>>
      tpu.enqueue_dma source(%arg12 : memref<128x128xf32, #tpu.memory_space<vmem>>) target(%dma_start3A_206 : memref<128x128xf32, #tpu.memory_space<hbm>>) target_semaphore(%arg24 : memref<!tpu.dma_semaphore, #tpu.memory_space<semaphore_mem>>)
    }
    %scan3A_27 = arith.constant 32 : i32
    %add3A_28 = arith.constant 16128 : i32
    %add3A_29 = arith.addi %mul3A_2, %add3A_28 : i32
    %dma_wait3A = arith.constant 0 : i32
    %dma_wait3A_30 = tpu.memref_slice %arg6[%add3A_29, %dma_wait3A] : memref<524288x128xf32, #tpu.memory_space<hbm>> -> memref<128x128xf32, #tpu.memory_space<hbm>>
    %dma_wait3A_31 = arith.constant 0 : i32
    %dma_wait3A_32 = tpu.memref_slice %arg6[%add3A_29, %dma_wait3A_31] : memref<524288x128xf32, #tpu.memory_space<hbm>> -> memref<128x128xf32, #tpu.memory_space<hbm>>
    tpu.wait_dma2 semaphore(%arg23 : memref<!tpu.dma_semaphore, #tpu.memory_space<semaphore_mem>>) src(%arg11 : memref<128x128xf32, #tpu.memory_space<vmem>>) dst(%dma_wait3A_32 : memref<128x128xf32, #tpu.memory_space<hbm>>)
    %add3A_33 = arith.constant 16256 : i32
    %add3A_34 = arith.addi %mul3A_2, %add3A_33 : i32
    %dma_wait3A_35 = arith.constant 0 : i32
    %dma_wait3A_36 = tpu.memref_slice %arg6[%add3A_34, %dma_wait3A_35] : memref<524288x128xf32, #tpu.memory_space<hbm>> -> memref<128x128xf32, #tpu.memory_space<hbm>>
    %dma_wait3A_37 = arith.constant 0 : i32
    %dma_wait3A_38 = tpu.memref_slice %arg6[%add3A_34, %dma_wait3A_37] : memref<524288x128xf32, #tpu.memory_space<hbm>> -> memref<128x128xf32, #tpu.memory_space<hbm>>
    tpu.wait_dma2 semaphore(%arg24 : memref<!tpu.dma_semaphore, #tpu.memory_space<semaphore_mem>>) src(%arg12 : memref<128x128xf32, #tpu.memory_space<vmem>>) dst(%dma_wait3A_38 : memref<128x128xf32, #tpu.memory_space<hbm>>)
    return
  }
}

</mosaic_0001>

<sc_bundles>
// kernel: kernel.3.cloned.1.call-start
scs
__scs_entry_jumppad:
0x0: {  	(pc) =	sbr.rel $0x88, $3  }
0x1: {  	(tag) =	ssettag $0x0;
	lr =	simm.s32 $0x1  }
0x2: {  	[smem:$0x3F9D] =	sst lr;
	_ =	strace $0xD0000000  }
0x3: {  	_ = 	snop  }
0x4: {  	_ = 	snop  }
0x5: {  	_ = 	snop  }
0x6: {  	_ = 	snop  }
0x7: {  	_ = 	snop  }
__scs_overlays_trampoline_lowered:
0x8: {  	[smem:$0x3FAC] =	sst s0  }
0x9: {  	[smem:$0x3FAD] =	sst s1  }
0xa: {  	[smem:$0x3FAE] =	sst s2  }
0xb: {  	[smem:$0x3FAF] =	sst s3  }
0xc: {  	[smem:$0x3FB0] =	sst s4  }
0xd: {  	[smem:$0x3FB1] =	sst s5  }
0xe: {  	[smem:$0x3FB2] =	sst s6  }
0xf: {  	[smem:$0x3FB3] =	sst s7  }
0x10: {  	[smem:$0x3FB4] =	sst s8  }
0x11: {  	[smem:$0x3FB5] =	sst s9;
	s0 =	simm.s32 @!p0 $0x0  }
0x12: {  	s1 =	sld [smem:$0x3F9B];
	s0 =	simm.s32 @p0 $0x1  }
0x13: {  	[smem:$0x3FB6] =	sst s0;
	s0 =	simm.s32 @!p1 $0x0  }
0x14: {  	s2 =	sld [smem:$0x3F9A];
	s0 =	simm.s32 @p1 $0x1  }
0x15: {  	[smem:$0x3FB7] =	sst s0;
	s0 =	simm.s32 @!p2 $0x0  }
0x16: {  	s3 =	sld [smem:$0x3FDB];
	s0 =	simm.s32 @p2 $0x1  }
0x17: {  	s4 =	simm.s32 $0x1BF5;
	[smem:$0x3FB9] =	sst s0  }
0x18: {  	s0 =	sld [smem:$0x3F9C];
	_ =	swait.ge [sflag:s4], $0x0  }
0x19: {  	s7 =	sld [smem:$0x3F9D]  }
0x1a: {  	s8 =	sadd.s32 $0xFFFFE003, lr  }
0x1b: {  	s9 =	sadd.s32 $0xFFFFFEF7, lr;
	s5 =	simm.s32 $0xFFFFFFFF;
	p2 =	slt.u32 s8, $0xFFFFF086  }
0x1c: {  	p1 =	slt.u32 s9, $0xF7A;
	s5 =	simm.s32 @!p2 $0x0  }
0x1d: {  	s5 =	simm.s32 @p1 $0x1;
	p0 =	seq.s32 s7, s2  }
0x1e: {  	s7 =	smul.u32 @!p0 $0xF7A, s2;
	p2 =	seq.s32 @!p0 s5, $0x0  }
0x1f: {  	s9 =	smul.u32 $0xF7A, s1;
	s8 =	simm.s32 @!p0 $0x1BF5;
	p2 =	por !p2, p0  }
0x20: {  	[sflag:s8] =	ssyncset.s32 @!p0 $0xFFFFF086;
	s6 =	sadd.s32 @!p0 s3, s7;
	s7 =	simm.s32 @!p0 $0x108  }
0x21: {  	s3 =	sadd.s32 s3, s9;
	s6 =	sadd.s32 @!p0 $0x88, s6;
	s7 =	simm.s32 @p2 $0x1082  }
0x22: {  	[simem:s7], [sflag:s8] =	dma.local @!p0 [hbm:s6], $0xF7A  }
0x23: {  	s9 =	sor.u32 $0xD0000000, s2;
	s6 =	simm.s32 $0x108;
	_ =	swait.ge @!p0 [sflag:s8], $0x0  }
0x24: {  	s3 =	sadd.s32 $0x88, s3;
	s6 =	simm.s32 @!p1 $0x1082;
	[sflag:s4] =	ssyncset.s32 $0xFFFFF086  }
0x25: {  	[simem:s6], [sflag:s4] =	dma.local [hbm:s3], $0xF7A  }
0x26: {  	[smem:$0x3F9D] =	sst s1;
	(tag) =	ssettag s2;
	_ =	strace s9  }
0x27: {  	s1 =	sld [smem:$0x3FAD]  }
0x28: {  	s2 =	sld [smem:$0x3FAE]  }
0x29: {  	s4 =	sld [smem:$0x3FB0]  }
0x2a: {  	p0 =	seq.s32 s5, $0x0;
	s5 =	sld [smem:$0x3FB1]  }
0x2b: {  	s6 =	sld [smem:$0x3FB2]  }
0x2c: {  	s7 =	sld [smem:$0x3FB3]  }
0x2d: {  	s3 =	simm.s32 $0x108;
	s8 =	sld [smem:$0x3FB4]  }
0x2e: {  	s3 =	simm.s32 @!p0 $0x1082;
	s9 =	sld [smem:$0x3FB5]  }
0x2f: {  	lr =	sadd.s32 s0, s3;
	s0 =	sld [smem:$0x3FAC]  }
0x30: {  	s3 =	sld [smem:$0x3FAF]  }
0x31: {  	[smem:$0x3FB8] =	sst s10  }
0x32: {  	s10 =	sld [smem:$0x3FB6];
	_ =	sdelay $0x3  }
0x33: {  	p0 =	seq.s32 s10, $0x1;
	s10 =	sld [smem:$0x3FB8];
	_ =	sdelay $0x3  }
0x34: {  	[smem:$0x3FB8] =	sst s10  }
0x35: {  	s10 =	sld [smem:$0x3FB7];
	_ =	sdelay $0x3  }
0x36: {  	p1 =	seq.s32 s10, $0x1;
	s10 =	sld [smem:$0x3FB8];
	_ =	sdelay $0x3  }
0x37: {  	[smem:$0x3FB8] =	sst s10  }
0x38: {  	s10 =	sld [smem:$0x3FB9]  }
0x39: {  	_ = 	snop;
	(pc) =	sbr.ind lr, $3  }
0x3a: {  	_ = 	snop  }
0x3b: {  	_ = 	snop  }
0x3c: {  	p2 =	seq.s32 s10, $0x1;
	s10 =	sld [smem:$0x3FB8]  }
0x3d: {  	_ =	shalt  }
0x3e: {  	_ =	shalt  }
0x3f: {  	_ =	shalt  }
0x40: {  	_ =	shalt  }
0x41: {  	_ =	shalt  }
0x42: {  	_ =	shalt  }
0x43: {  	_ =	shalt  }
0x44: {  	_ =	shalt  }
0x45: {  	_ =	shalt  }
0x46: {  	_ =	shalt  }
0x47: {  	_ =	shalt  }
0x48: {  	_ =	shalt  }
0x49: {  	_ =	shalt  }
0x4a: {  	_ =	shalt  }
0x4b: {  	_ =	shalt  }
0x4c: {  	_ =	shalt  }
0x4d: {  	_ =	shalt  }
0x4e: {  	_ =	shalt  }
0x4f: {  	_ =	shalt  }
0x50: {  	_ =	shalt  }
0x51: {  	_ =	shalt  }
0x52: {  	_ =	shalt  }
0x53: {  	_ =	shalt  }
0x54: {  	_ =	shalt  }
0x55: {  	_ =	shalt  }
0x56: {  	_ =	shalt  }
0x57: {  	_ =	shalt  }
0x58: {  	_ =	shalt  }
0x59: {  	_ =	shalt  }
0x5a: {  	_ =	shalt  }
0x5b: {  	_ =	shalt  }
0x5c: {  	_ =	shalt  }
0x5d: {  	_ =	shalt  }
0x5e: {  	_ =	shalt  }
0x5f: {  	_ =	shalt  }
0x60: {  	_ =	shalt  }
0x61: {  	_ =	shalt  }
0x62: {  	_ =	shalt  }
0x63: {  	_ =	shalt  }
0x64: {  	_ =	shalt  }
0x65: {  	_ =	shalt  }
0x66: {  	_ =	shalt  }
0x67: {  	_ =	shalt  }
0x68: {  	_ =	shalt  }
0x69: {  	_ =	shalt  }
0x6a: {  	_ =	shalt  }
0x6b: {  	_ =	shalt  }
0x6c: {  	_ =	shalt  }
0x6d: {  	_ =	shalt  }
0x6e: {  	_ =	shalt  }
0x6f: {  	_ =	shalt  }
0x70: {  	_ =	shalt  }
0x71: {  	_ =	shalt  }
0x72: {  	_ =	shalt  }
0x73: {  	_ =	shalt  }
0x74: {  	_ =	shalt  }
0x75: {  	_ =	shalt  }
0x76: {  	_ =	shalt  }
0x77: {  	_ =	shalt  }
0x78: {  	_ =	shalt  }
0x79: {  	_ =	shalt  }
0x7a: {  	_ =	shalt  }
0x7b: {  	_ =	shalt  }
0x7c: {  	_ =	shalt  }
0x7d: {  	_ =	shalt  }
0x7e: {  	_ =	shalt  }
0x7f: {  	_ =	shalt  }
0x80: {  	_ =	shalt  }
0x81: {  	_ =	shalt  }
0x82: {  	_ =	shalt  }
0x83: {  	_ =	shalt  }
0x84: {  	_ =	shalt  }
0x85: {  	_ =	shalt  }
0x86: {  	_ =	shalt  }
0x87: {  	_ =	shalt  }
.Lfunc_end0:
.L_simem_size_0:
called_computation_lowered:
.L_overlay_start_0:
0x88: {  	s2 =	sld [smem:$0x3FD9]  }
0x89: {  	s3 =	sld [smem:$0x3FFE];
	_ =	sdelay $0x1  }
0x8a: {  	s1 =	srdreg.scid  }
0x8b: {  	s0 =	sand.u32 $0x1, s1  }
0x8c: {  	s17 =	sshll.u32 s0, $0xA;
	s2 =	sadd.s32 s3, s2  }
0x8d: {  	s2 =	sadd.s32 s2, s17  }
0x8e: {  	[smem:$0x3FC4] =	sst s2  }
0x8f: {  	_ = 	snop  }
0x90: {  	s2 =	sld [smem:$0x3FC7]  }
0x91: {  	s18 =	sld [smem:$0x3FD0];
	(tm) =	ssettm $0x1  }
0x92: {  	s4 =	sld [smem:$0x3FFB];
	_ =	sdelay $0x3  }
0x93: {  	_ =	strace s4  }
0x94: {  	s4 =	sld [smem:$0x3FFC];
	_ =	sdelay $0x3  }
0x95: {  	_ =	strace s4  }
0x96: {  	s4 =	sld [smem:$0x3FFD];
	_ =	sdelay $0x3  }
0x97: {  	_ =	strace s4  }
0x98: {  	_ =	strace $0x8FFFFFFF  }
0x99: {  	s19 =	sld [smem:$0x3FDB];
	_ =	sdelay $0x1  }
0x9a: {  	s5 =	simm.s32 $_scs_section_size  }
0x9b: {  	s6 =	simm.s32 $_size__tile_overlayer_lowered;
	s7 =	simm.s32 $_tile_overlayer_lowered  }
0x9c: {  	s22 =	simm.s32 $0x1BFF;
	s21 =	sshll.u32 s7, $0x1;
	s4 =	sadd.s32 s5, s19  }
0x9d: {  	s8 =	simm.s32 $0x0;
	s20 =	sshll.u32 s6, $0x1;
	s6 =	sadd.s32 s21, s4  }
0x9e: {  	[timem:s8], [sflag:s22] =	dma.local [hbm:s6], s20  }
0x9f: {  	_ =	swait.ge [sflag:s22], s20  }
0xa0: {  	s5 =	ssub.s32 $0x0, s20;
	[sflag:s22] =	ssyncset.done $0x0  }
0xa1: {  	[sflag:s22] =	ssyncadd.s32 s5;
	_ =	sdelay $0x1  }
0xa2: {  	s23 =	simm.s32 $0x1B8B  }
0xa3: {  	_ =	swait.ge [sflag:s23], $0x1  }
0xa4: {  	[sflag:s23] =	ssyncset.done $0x0  }
0xa5: {  	s25 =	simm.s32 $0x1B8E;
	s24 =	sld [smem:$0x3FFE];
	[sflag:s23] =	ssyncadd.s32 $0xFFFFFFFF  }
0xa6: {  	s26 =	simm.s32 $execute0_lowered;
	[smem:$0x3FD2] =	sst s25  }
0xa7: {  	s6 =	sshll.u32 s26, $0x1;
	_ =	strace $0x80000046;
	[dreg:$0x1] =	wrdreg $0xFFFFFFFF  }
0xa8: {  	s28 =	simm.s32 $_size_execute0_lowered;
	s4 =	sadd.s32 s4, s6;
	[dreg:$0x0] =	wrdreg $0x0  }
0xa9: {  	s6 =	sshll.u32 s28, $0x1;
	[dreg:$0x2] =	wrdreg s4  }
0xaa: {  	[dreg:$0x3] =	wrdreg s6  }
0xab: {  	[dreg:$0x4] =	wrdreg $0xC0  }
0xac: {  	_ =	task [dreg:s8], $0x5FFFF  }
0xad: {  	[dreg:$0x1] =	wrdreg $0xFFFFFFFF  }
0xae: {  	[dreg:$0x0] =	wrdreg $0x60  }
0xaf: {  	[dreg:$0x2] =	wrdreg s24  }
0xb0: {  	[dreg:$0x3] =	wrdreg s2  }
0xb1: {  	[dreg:$0x4] =	wrdreg s18  }
0xb2: {  	[dreg:$0x5] =	wrdreg $0x9  }
0xb3: {  	_ =	task.clear_ibuf [dreg:s8], $0x6FFFF;
	_ =	strace $0x90000046  }
0xb4: {  	s29 =	simm.s32 $0x9;
	_ =	strace $0x80000048  }
0xb5: {  	_ =	swait.ge [sflag:s29], $0x1  }
0xb6: {  	[sflag:s29] =	ssyncadd.s32 $0xFFFFFFFF  }
0xb7: {  	_ =	strace $0x90000048  }
0xb8: {  	_ =	sfence  }
0xb9: {  	s30 =	sld [smem:$0x0];
	_ =	sdelay $0x2  }
0xba: {  	s31 =	sshll.u32 s1, $0xD;
	s1 =	sshrl.u32 s1, $0x2  }
0xbb: {  	s3 =	sand.u32 $0x4000, s31;
	s1 =	sadd.s32 s1, s30  }
0xbc: {  	s0 =	sor.u32 s3, s0;
	s1 =	sshll.u32 s1, $0x11  }
0xbd: {  	s0 =	sor.u32 s1, s0  }
0xbe: {  	s0 =	sadd.s32 $0x8F2B, s0  }
0xbf: {  	[sflag:s0] =	ssyncadd.remote.s32 $0x1  }
0xc0: {  	_ =	sfence.sel $0xFFFF  }
0xc1: {  	[dreg:$0x0] =	wrdreg $0xFFFFFFFF;
	(pc) =	sbr.abs _section_cstart, $3  }
0xc2: {  	[dreg:$0x1] =	wrdreg $0xFFFFFFFF  }
0xc3: {  	_ =	task.clear_ibuf [dreg:s8], $0x2FFFF;
	_ =	strace $0x9FFFFFFF  }
0xc4: {  	(tm) =	ssettm $0x7FFFFFFF  }
0xc5: {  	_ =	shalt  }
tec
execute0_lowered:
.L_overlay_start_1:
0x0: {  	(tag) =	ssettag $0x1  }
0x1: {  	s0 =	rddreg [dreg:$0x0]  }
0x2: {  	s2 =	rddreg [dreg:$0x1]  }
0x3: {  	s1 =	rddreg [dreg:$0x2]  }
0x4: {  	s3 =	srdreg.scid;
	s5 =	stileid.u32;
	s9 =	simm.s32 $0xB  }
0x5: {  	s11 =	simm.s32 $0x80;
	s12 =	simm.s32 $0x8000;
	s13 =	simm.s32 $0xC000  }
0x6: {  	s14 =	simm.s32 $0x18000;
	s15 =	simm.s32 $0x10000;
	s16 =	simm.s32 $0x1A000  }
0x7: {  	s17 =	simm.s32 $0x1;
	s18 =	simm.s32 $0x5;
	s19 =	simm.s32 $0x14000  }
0x8: {  	s20 =	simm.s32 $0x2;
	s21 =	simm.s32 $0x6;
	s22 =	simm.s32 $0x3  }
0x9: {  	s23 =	simm.s32 $0x4;
	s24 =	simm.s32 $0x9;
	s4 =	sand.u32 $0x1, s3  }
0xa: {  	s25 =	simm.s32 $0xA;
	s5 =	sshll.u32 s5, $0xF;
	s6 =	sshll.u32 s4, $0xE  }
0xb: {  	s26 =	simm.s32 $0x0;
	s3 =	simm.s32 $0x0;
	s5 =	sor.u32 s6, s5  }
0xc: {  	[smem:$0x7FF] =	sst s3;
	s7 =	ssub.s32 $0x2, s4;
	s6 =	sshrl.u32 s5, $0x3  }
0xd: {  	s4 =	sadd.s32 $0x400, s0;
	_ =	strace $0x80000047;
	s6 =	sadd.s32 s6, s0  }
0xe: {  	s30 =	sshrl.u32 s7, $0x1;
	s5 =	sshll.u32 s5, $0x4;
	s31 =	sadd.s32 $0x1600, s6  }
0xf: {  	s0 =	ssub.s32 s7, s30;
	s6 =	sadd.s32 $0x11600, s6;
	[dreg:$0x4] =	wrdreg s31  }
0x10: {  	s7 =	sadd.s32 s1, s5;
	s8 =	smax.u32 s0, $0x1;
	[dreg:$0x5] =	wrdreg s6  }
.LBB2_1:
0x11: {  	s0 =	rddreg [dreg:$0x4]  }
0x12: {  	[tilespmem:s3], [sflag:$0xB] =	stream.linear.gather [hbm4b:s0+s3], $0x4000, $0x38;
	[tilespmem:$0x1C000] =	vst v63  }
0x13: {  	_ =	swait.ge [sflag:s9], $0x4000  }
0x14: {  	[sflag:s9] =	ssyncset.done $0x0  }
0x15: {  	s1 =	simm.s32 $0x4000;
	s31 =	rddreg [dreg:$0x5];
	[sflag:s9] =	ssyncadd.s32 $0xFFFFC000  }
0x16: {  	[tilespmem:s1], [sflag:$0xB] =	stream.linear.gather [hbm4b:s31+s3], $0x4000, $0x38;
	[tilespmem:$0x1C000] =	vst v63  }
0x17: {  	_ =	swait.ge [sflag:s9], $0x4000  }
0x18: {  	[sflag:s9] =	ssyncset.done $0x0  }
0x19: {  	[sflag:s9] =	ssyncadd.s32 $0xFFFFC000  }
0x1a: {  	[tilespmem:s12], [sflag:$0x1] =	stream.indirect.gather [hbm4b:s2+s11], $0x80, s3, s11, $0xb8;
	[tilespmem:$0x1C000] =	vst v63  }
0x1b: {  	_ = 	snop  }
0x1c: {  	[tilespmem:s13], [sflag:$0x2] =	stream.indirect.gather [hbm4b:s2+s11], $0x80, s11, s11, $0xb8;
	[tilespmem:$0x1C000] =	vst v63  }
0x1d: {  	s28 =	simm.s32 $0x0  }
0x1e: {  	[tilespmem:s14], [sflag:$0x5] =	stream.indirect.gather [hbm4b:s4+s11], $0x40, s1, s11, $0xb8;
	[tilespmem:$0x1C000] =	vst v63  }
.LBB2_2:
0x1f: {  	p0 =	seq.s32 s28, $0x0  }
0x20: {  	s31 =	sshll.u32 s28, $0x2;
	s0 =	simm.s32 @!p0 $0x9  }
0x21: {  	s29 =	sor.u32 $0x2, s31;
	_ =	swait.ge @!p0 [sflag:s0], $0x4000  }
0x22: {  	s1 =	sshll.u32 s29, $0x9;
	[sflag:s0] =	ssyncset.done @!p0 $0x0  }
0x23: {  	s1 =	sshrl.u32 s1, $0x2;
	[sflag:s0] =	ssyncadd.s32 @!p0 $0xFFFFC000;
	s0 =	sor.u32 $0x1, s31  }
0x24: {  	[tilespmem:s15], [sflag:$0x3] =	stream.indirect.gather [hbm4b:s2+s11], $0x80, s1, s11, $0xb8;
	[tilespmem:$0x1C000] =	vst v63  }
0x25: {  	s5 =	sshll.u32 s0, $0x7  }
0x26: {  	s5 =	sand.u32 $0x3FFFFF80, s5  }
0x27: {  	s5 =	sadd.s32 $0x4000, s5  }
0x28: {  	[tilespmem:s16], [sflag:$0x6] =	stream.indirect.gather [hbm4b:s4+s11], $0x40, s5, s11, $0xb8;
	[tilespmem:$0x1C000] =	vst v63  }
0x29: {  	_ =	swait.ge [sflag:s17], $0x4000  }
0x2a: {  	[sflag:s17] =	ssyncset.done $0x0  }
0x2b: {  	[sflag:s17] =	ssyncadd.s32 $0xFFFFC000  }
0x2c: {  	_ =	swait.ge [sflag:s18], $0x2000  }
0x2d: {  	[sflag:s18] =	ssyncset.done $0x0  }
0x2e: {  	s30 =	simm.s32 $0x0;
	[sflag:s18] =	ssyncadd.s32 $0xFFFFE000  }
0x2f: {  	s10 =	simm.s32 $0x8040;
	v0 =	vld [tilespmem:s30+$0x18000]  }
0x30: {  	s5 =	simm.s32 $0x100;
	v1 =	vld [tilespmem:s10+$0xFFFFFFC0]  }
.LBB2_3:
0x31: {  	p1 =	sne.s32 s5, $0x7F00;
	v2 =	vld [tilespmem:s10+$0xFFFFFFD0];
	_ =	sdelay $0x2  }
0x32: {  	v3 =	vshll.u32 v0, $0x10  }
0x33: {  	v0 =	vand.u32 $0xFFFF0000, v0;
	v1 =	vadd.f32 v3, v1  }
0x34: {  	v0 =	vadd.f32 v0, v2  }
0x35: {  	[tilespmem:s10+$0xFFFFFFC0] =	vst v1  }
0x36: {  	[tilespmem:s10+$0xFFFFFFD0] =	vst v0  }
0x37: {  	v0 =	vld [tilespmem:s30+$0x18010]  }
0x38: {  	v1 =	vld [tilespmem:s10+$0xFFFFFFE0]  }
0x39: {  	v2 =	vld [tilespmem:s10+$0xFFFFFFF0];
	_ =	sdelay $0x2  }
0x3a: {  	v3 =	vshll.u32 v0, $0x10  }
0x3b: {  	v0 =	vand.u32 $0xFFFF0000, v0;
	v1 =	vadd.f32 v3, v1  }
0x3c: {  	v0 =	vadd.f32 v0, v2  }
0x3d: {  	[tilespmem:s10+$0xFFFFFFE0] =	vst v1  }
0x3e: {  	[tilespmem:s10+$0xFFFFFFF0] =	vst v0;
	v0 =	vld [tilespmem:s10+$0x0]  }
0x3f: {  	v1 =	vld [tilespmem:s30+$0x18020]  }
0x40: {  	v2 =	vld [tilespmem:s10+$0x10];
	_ =	sdelay $0x3  }
0x41: {  	v3 =	vshll.u32 v1, $0x10;
	v1 =	vand.u32 $0xFFFF0000, v1  }
0x42: {  	v0 =	vadd.f32 v3, v0;
	v1 =	vadd.f32 v1, v2;
	_ =	sdelay $0x1  }
0x43: {  	[tilespmem:s10+$0x10] =	vst v1  }
0x44: {  	[tilespmem:s10+$0x0] =	vst v0;
	v0 =	vld [tilespmem:s10+$0x30]  }
0x45: {  	v1 =	vld [tilespmem:s30+$0x18030]  }
0x46: {  	v2 =	vld [tilespmem:s10+$0x20];
	_ =	sdelay $0x3  }
0x47: {  	v3 =	vshll.u32 v1, $0x10;
	v1 =	vand.u32 $0xFFFF0000, v1  }
0x48: {  	v2 =	vadd.f32 v3, v2;
	v0 =	vadd.f32 v1, v0  }
.Ltmp0:
0x49: {  	(pc) =	sbr.rel @p1 .LBB2_3-.Ltmp0, $4  }
0x4a: {  	[tilespmem:s10+$0x20] =	vst v2  }
0x4b: {  	s30 =	sshra.s32 s5, $0x2;
	[tilespmem:s10+$0x30] =	vst v0  }
0x4c: {  	s10 =	sadd.s32 $0x80, s10;
	v0 =	vld [tilespmem:s30+$0x18000]  }
0x4d: {  	s5 =	sadd.s32 $0x100, s5;
	v1 =	vld [tilespmem:s10+$0xFFFFFFC0]  }
0x4e: {  	v2 =	vld [tilespmem:s10+$0xFFFFFFD0];
	_ =	sdelay $0x2  }
0x4f: {  	v3 =	vshll.u32 v0, $0x10  }
0x50: {  	v0 =	vand.u32 $0xFFFF0000, v0;
	v1 =	vadd.f32 v3, v1  }
0x51: {  	v0 =	vadd.f32 v0, v2  }
0x52: {  	[tilespmem:s10+$0xFFFFFFC0] =	vst v1  }
0x53: {  	[tilespmem:s10+$0xFFFFFFD0] =	vst v0  }
0x54: {  	v0 =	vld [tilespmem:s30+$0x18010]  }
0x55: {  	v1 =	vld [tilespmem:s10+$0xFFFFFFE0]  }
0x56: {  	v2 =	vld [tilespmem:s10+$0xFFFFFFF0];
	_ =	sdelay $0x2  }
0x57: {  	v3 =	vshll.u32 v0, $0x10  }
0x58: {  	v0 =	vand.u32 $0xFFFF0000, v0;
	v1 =	vadd.f32 v3, v1  }
0x59: {  	v0 =	vadd.f32 v0, v2  }
0x5a: {  	[tilespmem:s10+$0xFFFFFFE0] =	vst v1  }
0x5b: {  	[tilespmem:s10+$0xFFFFFFF0] =	vst v0  }
0x5c: {  	v0 =	vld [tilespmem:s30+$0x18020]  }
0x5d: {  	v1 =	vld [tilespmem:s10+$0x10]  }
0x5e: {  	v2 =	vld [tilespmem:s10+$0x0];
	_ =	sdelay $0x2  }
0x5f: {  	v3 =	vand.u32 $0xFFFF0000, v0  }
0x60: {  	v0 =	vshll.u32 v0, $0x10;
	v1 =	vadd.f32 v3, v1  }
0x61: {  	v0 =	vadd.f32 v0, v2  }
0x62: {  	[tilespmem:s10+$0x10] =	vst v1  }
0x63: {  	[tilespmem:s10+$0x0] =	vst v0  }
0x64: {  	v0 =	vld [tilespmem:s30+$0x18030]  }
0x65: {  	v1 =	vld [tilespmem:s10+$0x20]  }
0x66: {  	v2 =	vld [tilespmem:s10+$0x30];
	_ =	sdelay $0x2  }
0x67: {  	v3 =	vshll.u32 v0, $0x10  }
0x68: {  	v0 =	vand.u32 $0xFFFF0000, v0;
	v1 =	vadd.f32 v3, v1  }
0x69: {  	v0 =	vadd.f32 v0, v2  }
0x6a: {  	s5 =	sshll.u32 s28, $0xD;
	[tilespmem:s10+$0x20] =	vst v1  }
0x6b: {  	s5 =	sadd.s32 s5, s7;
	[tilespmem:s10+$0x30] =	vst v0  }
0x6c: {  	[hbm4b:s5+s3] =	stream.linear.scatter [tilespmem:s12], [sflag:$0x7], $0x4000, $0x38;
	[tilespmem:$0x1C000] =	vst v63  }
0x6d: {  	s5 =	simm.s32 @!p0 $0xA  }
0x6e: {  	s30 =	sor.u32 $0x3, s31;
	_ =	swait.ge @!p0 [sflag:s5], $0x4000  }
0x6f: {  	s6 =	sshll.u32 s30, $0x9;
	[sflag:s5] =	ssyncset.done @!p0 $0x0  }
0x70: {  	s10 =	sshrl.u32 s6, $0x2;
	[sflag:s5] =	ssyncadd.s32 @!p0 $0xFFFFC000  }
0x71: {  	[tilespmem:s19], [sflag:$0x4] =	stream.indirect.gather [hbm4b:s2+s11], $0x80, s10, s11, $0xb8;
	[tilespmem:$0x1C000] =	vst v63  }
0x72: {  	s1 =	sadd.s32 $0x4000, s1  }
0x73: {  	[tilespmem:s14], [sflag:$0x5] =	stream.indirect.gather [hbm4b:s4+s11], $0x40, s1, s11, $0xb8;
	[tilespmem:$0x1C000] =	vst v63  }
0x74: {  	_ =	swait.ge [sflag:s20], $0x4000  }
0x75: {  	[sflag:s20] =	ssyncset.done $0x0  }
0x76: {  	[sflag:s20] =	ssyncadd.s32 $0xFFFFC000  }
0x77: {  	_ =	swait.ge [sflag:s21], $0x2000  }
0x78: {  	[sflag:s21] =	ssyncset.done $0x0  }
0x79: {  	s5 =	simm.s32 $0x0;
	[sflag:s21] =	ssyncadd.s32 $0xFFFFE000  }
0x7a: {  	s1 =	simm.s32 $0xC040;
	v0 =	vld [tilespmem:s5+$0x1A000]  }
0x7b: {  	s6 =	simm.s32 $0x100;
	v1 =	vld [tilespmem:s1+$0xFFFFFFC0]  }
.LBB2_5:
0x7c: {  	p0 =	sne.s32 s6, $0x7F00;
	v2 =	vld [tilespmem:s1+$0xFFFFFFD0];
	_ =	sdelay $0x2  }
0x7d: {  	v3 =	vshll.u32 v0, $0x10  }
0x7e: {  	v0 =	vand.u32 $0xFFFF0000, v0;
	v1 =	vadd.f32 v3, v1  }
0x7f: {  	v0 =	vadd.f32 v0, v2  }
0x80: {  	[tilespmem:s1+$0xFFFFFFC0] =	vst v1  }
0x81: {  	[tilespmem:s1+$0xFFFFFFD0] =	vst v0  }
0x82: {  	v0 =	vld [tilespmem:s5+$0x1A010]  }
0x83: {  	v1 =	vld [tilespmem:s1+$0xFFFFFFE0]  }
0x84: {  	v2 =	vld [tilespmem:s1+$0xFFFFFFF0];
	_ =	sdelay $0x2  }
0x85: {  	v3 =	vshll.u32 v0, $0x10  }
0x86: {  	v0 =	vand.u32 $0xFFFF0000, v0;
	v1 =	vadd.f32 v3, v1  }
0x87: {  	v0 =	vadd.f32 v0, v2  }
0x88: {  	[tilespmem:s1+$0xFFFFFFE0] =	vst v1  }
0x89: {  	[tilespmem:s1+$0xFFFFFFF0] =	vst v0;
	v0 =	vld [tilespmem:s1+$0x0]  }
0x8a: {  	v1 =	vld [tilespmem:s5+$0x1A020]  }
0x8b: {  	v2 =	vld [tilespmem:s1+$0x10];
	_ =	sdelay $0x3  }
0x8c: {  	v3 =	vshll.u32 v1, $0x10;
	v1 =	vand.u32 $0xFFFF0000, v1  }
0x8d: {  	v0 =	vadd.f32 v3, v0;
	v1 =	vadd.f32 v1, v2;
	_ =	sdelay $0x1  }
0x8e: {  	[tilespmem:s1+$0x10] =	vst v1  }
0x8f: {  	[tilespmem:s1+$0x0] =	vst v0;
	v0 =	vld [tilespmem:s1+$0x30]  }
0x90: {  	v1 =	vld [tilespmem:s5+$0x1A030]  }
0x91: {  	v2 =	vld [tilespmem:s1+$0x20];
	_ =	sdelay $0x3  }
0x92: {  	v3 =	vshll.u32 v1, $0x10;
	v1 =	vand.u32 $0xFFFF0000, v1  }
0x93: {  	v2 =	vadd.f32 v3, v2;
	v0 =	vadd.f32 v1, v0  }
.Ltmp1:
0x94: {  	(pc) =	sbr.rel @p0 .LBB2_5-.Ltmp1, $4  }
0x95: {  	[tilespmem:s1+$0x20] =	vst v2  }
0x96: {  	s5 =	sshra.s32 s6, $0x2;
	[tilespmem:s1+$0x30] =	vst v0  }
0x97: {  	s1 =	sadd.s32 $0x80, s1;
	v0 =	vld [tilespmem:s5+$0x1A000]  }
0x98: {  	s6 =	sadd.s32 $0x100, s6;
	v1 =	vld [tilespmem:s1+$0xFFFFFFC0]  }
0x99: {  	v2 =	vld [tilespmem:s1+$0xFFFFFFD0];
	_ =	sdelay $0x2  }
0x9a: {  	v3 =	vshll.u32 v0, $0x10  }
0x9b: {  	v0 =	vand.u32 $0xFFFF0000, v0;
	v1 =	vadd.f32 v3, v1  }
0x9c: {  	v0 =	vadd.f32 v0, v2  }
0x9d: {  	[tilespmem:s1+$0xFFFFFFC0] =	vst v1  }
0x9e: {  	[tilespmem:s1+$0xFFFFFFD0] =	vst v0  }
0x9f: {  	v0 =	vld [tilespmem:s5+$0x1A010]  }
0xa0: {  	v1 =	vld [tilespmem:s1+$0xFFFFFFE0]  }
0xa1: {  	v2 =	vld [tilespmem:s1+$0xFFFFFFF0];
	_ =	sdelay $0x2  }
0xa2: {  	v3 =	vshll.u32 v0, $0x10  }
0xa3: {  	v0 =	vand.u32 $0xFFFF0000, v0;
	v1 =	vadd.f32 v3, v1  }
0xa4: {  	v0 =	vadd.f32 v0, v2  }
0xa5: {  	[tilespmem:s1+$0xFFFFFFE0] =	vst v1  }
0xa6: {  	[tilespmem:s1+$0xFFFFFFF0] =	vst v0  }
0xa7: {  	v0 =	vld [tilespmem:s5+$0x1A020]  }
0xa8: {  	v1 =	vld [tilespmem:s1+$0x10]  }
0xa9: {  	v2 =	vld [tilespmem:s1+$0x0];
	_ =	sdelay $0x2  }
0xaa: {  	v3 =	vand.u32 $0xFFFF0000, v0  }
0xab: {  	v0 =	vshll.u32 v0, $0x10;
	v1 =	vadd.f32 v3, v1  }
0xac: {  	v0 =	vadd.f32 v0, v2  }
0xad: {  	[tilespmem:s1+$0x10] =	vst v1  }
0xae: {  	[tilespmem:s1+$0x0] =	vst v0  }
0xaf: {  	v0 =	vld [tilespmem:s5+$0x1A030]  }
0xb0: {  	v1 =	vld [tilespmem:s1+$0x20]  }
0xb1: {  	v2 =	vld [tilespmem:s1+$0x30];
	_ =	sdelay $0x2  }
0xb2: {  	v3 =	vshll.u32 v0, $0x10  }
0xb3: {  	v0 =	vand.u32 $0xFFFF0000, v0;
	v1 =	vadd.f32 v3, v1  }
0xb4: {  	v0 =	vadd.f32 v0, v2  }
0xb5: {  	s0 =	sshll.u32 s0, $0xB;
	[tilespmem:s1+$0x20] =	vst v1  }
0xb6: {  	p0 =	seq.s32 s28, $0x1F;
	s0 =	sadd.s32 s0, s7;
	[tilespmem:s1+$0x30] =	vst v0  }
0xb7: {  	[hbm4b:s0+s3] =	stream.linear.scatter [tilespmem:s13], [sflag:$0x8], $0x4000, $0x38;
	[tilespmem:$0x1C000] =	vst v63  }
0xb8: {  	s0 =	simm.s32 @!p0 $0x7  }
0xb9: {  	_ =	swait.ge @!p0 [sflag:s0], $0x4000  }
0xba: {  	s1 =	sadd.s32 $0x4, s31;
	[sflag:s0] =	ssyncset.done @!p0 $0x0  }
0xbb: {  	[sflag:s0] =	ssyncadd.s32 @!p0 $0xFFFFC000;
	s0 =	sshll.u32 @!p0 s1, $0x7  }
0xbc: {  	s5 =	simm.s32 @!p0 $0x8000;
	s1 =	simm.s32 @!p0 $0x80;
	s0 =	sand.u32 @!p0 $0x3FFFFF80, s0  }
0xbd: {  	[tilespmem:s5], [sflag:$0x1] =	stream.indirect.gather @!p0 [hbm4b:s2+s1], $0x80, s0, s1, $0xb8;
	[tilespmem:$0x1C000] =	vst v63  }
0xbe: {  	s31 =	sadd.s32 $0x4000, s10  }
0xbf: {  	[tilespmem:s16], [sflag:$0x6] =	stream.indirect.gather [hbm4b:s4+s11], $0x40, s31, s11, $0xb8;
	[tilespmem:$0x1C000] =	vst v63  }
0xc0: {  	_ =	swait.ge [sflag:s22], $0x4000  }
0xc1: {  	[sflag:s22] =	ssyncset.done $0x0  }
0xc2: {  	[sflag:s22] =	ssyncadd.s32 $0xFFFFC000  }
0xc3: {  	_ =	swait.ge [sflag:s18], $0x2000  }
0xc4: {  	[sflag:s18] =	ssyncset.done $0x0  }
0xc5: {  	s5 =	simm.s32 $0x0;
	[sflag:s18] =	ssyncadd.s32 $0xFFFFE000  }
0xc6: {  	s1 =	simm.s32 $0x10040;
	v0 =	vld [tilespmem:s5+$0x18000]  }
0xc7: {  	s6 =	simm.s32 $0x100;
	v1 =	vld [tilespmem:s1+$0xFFFFFFC0]  }
.LBB2_7:
0xc8: {  	p1 =	sne.s32 s6, $0x7F00;
	v2 =	vld [tilespmem:s1+$0xFFFFFFD0];
	_ =	sdelay $0x2  }
0xc9: {  	v3 =	vshll.u32 v0, $0x10  }
0xca: {  	v0 =	vand.u32 $0xFFFF0000, v0;
	v1 =	vadd.f32 v3, v1  }
0xcb: {  	v0 =	vadd.f32 v0, v2  }
0xcc: {  	[tilespmem:s1+$0xFFFFFFC0] =	vst v1  }
0xcd: {  	[tilespmem:s1+$0xFFFFFFD0] =	vst v0  }
0xce: {  	v0 =	vld [tilespmem:s5+$0x18010]  }
0xcf: {  	v1 =	vld [tilespmem:s1+$0xFFFFFFE0]  }
0xd0: {  	v2 =	vld [tilespmem:s1+$0xFFFFFFF0];
	_ =	sdelay $0x2  }
0xd1: {  	v3 =	vshll.u32 v0, $0x10  }
0xd2: {  	v0 =	vand.u32 $0xFFFF0000, v0;
	v1 =	vadd.f32 v3, v1  }
0xd3: {  	v0 =	vadd.f32 v0, v2  }
0xd4: {  	[tilespmem:s1+$0xFFFFFFE0] =	vst v1  }
0xd5: {  	[tilespmem:s1+$0xFFFFFFF0] =	vst v0;
	v0 =	vld [tilespmem:s1+$0x0]  }
0xd6: {  	v1 =	vld [tilespmem:s5+$0x18020]  }
0xd7: {  	v2 =	vld [tilespmem:s1+$0x10];
	_ =	sdelay $0x3  }
0xd8: {  	v3 =	vshll.u32 v1, $0x10;
	v1 =	vand.u32 $0xFFFF0000, v1  }
0xd9: {  	v0 =	vadd.f32 v3, v0;
	v1 =	vadd.f32 v1, v2;
	_ =	sdelay $0x1  }
0xda: {  	[tilespmem:s1+$0x10] =	vst v1  }
0xdb: {  	[tilespmem:s1+$0x0] =	vst v0;
	v0 =	vld [tilespmem:s1+$0x30]  }
0xdc: {  	v1 =	vld [tilespmem:s5+$0x18030]  }
0xdd: {  	v2 =	vld [tilespmem:s1+$0x20];
	_ =	sdelay $0x3  }
0xde: {  	v3 =	vshll.u32 v1, $0x10;
	v1 =	vand.u32 $0xFFFF0000, v1  }
0xdf: {  	v2 =	vadd.f32 v3, v2;
	v0 =	vadd.f32 v1, v0  }
.Ltmp2:
0xe0: {  	(pc) =	sbr.rel @p1 .LBB2_7-.Ltmp2, $4  }
0xe1: {  	[tilespmem:s1+$0x20] =	vst v2  }
0xe2: {  	s5 =	sshra.s32 s6, $0x2;
	[tilespmem:s1+$0x30] =	vst v0  }
0xe3: {  	s1 =	sadd.s32 $0x80, s1;
	v0 =	vld [tilespmem:s5+$0x18000]  }
0xe4: {  	s6 =	sadd.s32 $0x100, s6;
	v1 =	vld [tilespmem:s1+$0xFFFFFFC0]  }
0xe5: {  	v2 =	vld [tilespmem:s1+$0xFFFFFFD0];
	_ =	sdelay $0x2  }
0xe6: {  	v3 =	vshll.u32 v0, $0x10  }
0xe7: {  	v0 =	vand.u32 $0xFFFF0000, v0;
	v1 =	vadd.f32 v3, v1  }
0xe8: {  	v0 =	vadd.f32 v0, v2  }
0xe9: {  	[tilespmem:s1+$0xFFFFFFC0] =	vst v1  }
0xea: {  	[tilespmem:s1+$0xFFFFFFD0] =	vst v0  }
0xeb: {  	v0 =	vld [tilespmem:s5+$0x18010]  }
0xec: {  	v1 =	vld [tilespmem:s1+$0xFFFFFFE0]  }
0xed: {  	v2 =	vld [tilespmem:s1+$0xFFFFFFF0];
	_ =	sdelay $0x2  }
0xee: {  	v3 =	vshll.u32 v0, $0x10  }
0xef: {  	v0 =	vand.u32 $0xFFFF0000, v0;
	v1 =	vadd.f32 v3, v1  }
0xf0: {  	v0 =	vadd.f32 v0, v2  }
0xf1: {  	[tilespmem:s1+$0xFFFFFFE0] =	vst v1  }
0xf2: {  	[tilespmem:s1+$0xFFFFFFF0] =	vst v0  }
0xf3: {  	v0 =	vld [tilespmem:s5+$0x18020]  }
0xf4: {  	v1 =	vld [tilespmem:s1+$0x10]  }
0xf5: {  	v2 =	vld [tilespmem:s1+$0x0];
	_ =	sdelay $0x2  }
0xf6: {  	v3 =	vand.u32 $0xFFFF0000, v0  }
0xf7: {  	v0 =	vshll.u32 v0, $0x10;
	v1 =	vadd.f32 v3, v1  }
0xf8: {  	v0 =	vadd.f32 v0, v2  }
0xf9: {  	[tilespmem:s1+$0x10] =	vst v1  }
0xfa: {  	[tilespmem:s1+$0x0] =	vst v0  }
0xfb: {  	v0 =	vld [tilespmem:s5+$0x18030]  }
0xfc: {  	v1 =	vld [tilespmem:s1+$0x20]  }
0xfd: {  	v2 =	vld [tilespmem:s1+$0x30];
	_ =	sdelay $0x2  }
0xfe: {  	v3 =	vshll.u32 v0, $0x10  }
0xff: {  	v0 =	vand.u32 $0xFFFF0000, v0;
	v1 =	vadd.f32 v3, v1  }
0x100: {  	v0 =	vadd.f32 v0, v2  }
0x101: {  	s29 =	sshll.u32 s29, $0xB;
	[tilespmem:s1+$0x20] =	vst v1  }
0x102: {  	s31 =	sadd.s32 s29, s7;
	[tilespmem:s1+$0x30] =	vst v0;
	s1 =	simm.s32 @!p0 $0x8  }
0x103: {  	[hbm4b:s31+s3] =	stream.linear.scatter [tilespmem:s15], [sflag:$0x9], $0x4000, $0x38;
	[tilespmem:$0x1C000] =	vst v63  }
0x104: {  	_ =	swait.ge @!p0 [sflag:s1], $0x4000  }
0x105: {  	s5 =	sshll.u32 @!p0 s28, $0x9;
	[sflag:s1] =	ssyncset.done @!p0 $0x0  }
0x106: {  	[sflag:s1] =	ssyncadd.s32 @!p0 $0xFFFFC000;
	s1 =	sand.u32 @!p0 $0x3FFFFE00, s5  }
0x107: {  	s6 =	simm.s32 @!p0 $0xC000;
	s5 =	simm.s32 @!p0 $0x80;
	s1 =	sadd.s32 @!p0 $0x280, s1  }
0x108: {  	[tilespmem:s6], [sflag:$0x2] =	stream.indirect.gather @!p0 [hbm4b:s2+s5], $0x80, s1, s5, $0xb8;
	[tilespmem:$0x1C000] =	vst v63  }
0x109: {  	s0 =	sadd.s32 @!p0 $0x4000, s0;
	s1 =	simm.s32 @!p0 $0x18000  }
0x10a: {  	[tilespmem:s1], [sflag:$0x5] =	stream.indirect.gather @!p0 [hbm4b:s4+s5], $0x40, s0, s5, $0xb8;
	[tilespmem:$0x1C000] =	vst v63  }
0x10b: {  	_ =	swait.ge [sflag:s23], $0x4000  }
0x10c: {  	[sflag:s23] =	ssyncset.done $0x0  }
0x10d: {  	[sflag:s23] =	ssyncadd.s32 $0xFFFFC000  }
0x10e: {  	_ =	swait.ge [sflag:s21], $0x2000  }
0x10f: {  	[sflag:s21] =	ssyncset.done $0x0  }
0x110: {  	s1 =	simm.s32 $0x0;
	[sflag:s21] =	ssyncadd.s32 $0xFFFFE000  }
0x111: {  	s0 =	simm.s32 $0x14040;
	v0 =	vld [tilespmem:s1+$0x1A000]  }
0x112: {  	s5 =	simm.s32 $0x100;
	v1 =	vld [tilespmem:s0+$0xFFFFFFC0]  }
.LBB2_9:
0x113: {  	p0 =	sne.s32 s5, $0x7F00;
	v2 =	vld [tilespmem:s0+$0xFFFFFFD0];
	_ =	sdelay $0x2  }
0x114: {  	v3 =	vshll.u32 v0, $0x10  }
0x115: {  	v0 =	vand.u32 $0xFFFF0000, v0;
	v1 =	vadd.f32 v3, v1  }
0x116: {  	v0 =	vadd.f32 v0, v2  }
0x117: {  	[tilespmem:s0+$0xFFFFFFC0] =	vst v1  }
0x118: {  	[tilespmem:s0+$0xFFFFFFD0] =	vst v0  }
0x119: {  	v0 =	vld [tilespmem:s1+$0x1A010]  }
0x11a: {  	v1 =	vld [tilespmem:s0+$0xFFFFFFE0]  }
0x11b: {  	v2 =	vld [tilespmem:s0+$0xFFFFFFF0];
	_ =	sdelay $0x2  }
0x11c: {  	v3 =	vshll.u32 v0, $0x10  }
0x11d: {  	v0 =	vand.u32 $0xFFFF0000, v0;
	v1 =	vadd.f32 v3, v1  }
0x11e: {  	v0 =	vadd.f32 v0, v2  }
0x11f: {  	[tilespmem:s0+$0xFFFFFFE0] =	vst v1  }
0x120: {  	[tilespmem:s0+$0xFFFFFFF0] =	vst v0;
	v0 =	vld [tilespmem:s0+$0x0]  }
0x121: {  	v1 =	vld [tilespmem:s1+$0x1A020]  }
0x122: {  	v2 =	vld [tilespmem:s0+$0x10];
	_ =	sdelay $0x3  }
0x123: {  	v3 =	vshll.u32 v1, $0x10;
	v1 =	vand.u32 $0xFFFF0000, v1  }
0x124: {  	v0 =	vadd.f32 v3, v0;
	v1 =	vadd.f32 v1, v2;
	_ =	sdelay $0x1  }
0x125: {  	[tilespmem:s0+$0x10] =	vst v1  }
0x126: {  	[tilespmem:s0+$0x0] =	vst v0;
	v0 =	vld [tilespmem:s0+$0x30]  }
0x127: {  	v1 =	vld [tilespmem:s1+$0x1A030]  }
0x128: {  	v2 =	vld [tilespmem:s0+$0x20];
	_ =	sdelay $0x3  }
0x129: {  	v3 =	vshll.u32 v1, $0x10;
	v1 =	vand.u32 $0xFFFF0000, v1  }
0x12a: {  	v2 =	vadd.f32 v3, v2;
	v0 =	vadd.f32 v1, v0  }
.Ltmp3:
0x12b: {  	(pc) =	sbr.rel @p0 .LBB2_9-.Ltmp3, $4  }
0x12c: {  	[tilespmem:s0+$0x20] =	vst v2  }
0x12d: {  	s1 =	sshra.s32 s5, $0x2;
	[tilespmem:s0+$0x30] =	vst v0  }
0x12e: {  	s0 =	sadd.s32 $0x80, s0;
	v0 =	vld [tilespmem:s1+$0x1A000]  }
0x12f: {  	s5 =	sadd.s32 $0x100, s5;
	v1 =	vld [tilespmem:s0+$0xFFFFFFC0]  }
0x130: {  	v2 =	vld [tilespmem:s0+$0xFFFFFFD0];
	_ =	sdelay $0x2  }
0x131: {  	v3 =	vshll.u32 v0, $0x10  }
0x132: {  	v54 =	vand.u32 $0xFFFF0000, v0;
	v1 =	vadd.f32 v3, v1  }
0x133: {  	v0 =	vadd.f32 v54, v2  }
0x134: {  	[tilespmem:s0+$0xFFFFFFC0] =	vst v1  }
0x135: {  	[tilespmem:s0+$0xFFFFFFD0] =	vst v0  }
0x136: {  	v0 =	vld [tilespmem:s1+$0x1A010]  }
0x137: {  	v55 =	vld [tilespmem:s0+$0xFFFFFFE0]  }
0x138: {  	v56 =	vld [tilespmem:s0+$0xFFFFFFF0];
	_ =	sdelay $0x2  }
0x139: {  	v57 =	vshll.u32 v0, $0x10  }
0x13a: {  	v0 =	vand.u32 $0xFFFF0000, v0;
	v1 =	vadd.f32 v57, v55  }
0x13b: {  	v0 =	vadd.f32 v0, v56  }
0x13c: {  	[tilespmem:s0+$0xFFFFFFE0] =	vst v1  }
0x13d: {  	[tilespmem:s0+$0xFFFFFFF0] =	vst v0  }
0x13e: {  	v0 =	vld [tilespmem:s1+$0x1A020]  }
0x13f: {  	v58 =	vld [tilespmem:s0+$0x10]  }
0x140: {  	v59 =	vld [tilespmem:s0+$0x0];
	_ =	sdelay $0x2  }
0x141: {  	v60 =	vand.u32 $0xFFFF0000, v0  }
0x142: {  	v0 =	vshll.u32 v0, $0x10;
	v1 =	vadd.f32 v60, v58  }
0x143: {  	v0 =	vadd.f32 v0, v59  }
0x144: {  	[tilespmem:s0+$0x10] =	vst v1  }
0x145: {  	[tilespmem:s0+$0x0] =	vst v0  }
0x146: {  	v0 =	vld [tilespmem:s1+$0x1A030]  }
0x147: {  	v61 =	vld [tilespmem:s0+$0x20]  }
0x148: {  	v62 =	vld [tilespmem:s0+$0x30];
	_ =	sdelay $0x1  }
0x149: {  	s28 =	sadd.s32 $0x1, s28  }
0x14a: {  	p0 =	sne.s32 s28, $0x20;
	v63 =	vshll.u32 v0, $0x10  }
.Ltmp4:
0x14b: {  	v0 =	vand.u32 $0xFFFF0000, v0;
	v1 =	vadd.f32 v63, v61;
	(pc) =	sbr.rel @p0 .LBB2_2-.Ltmp4, $4  }
0x14c: {  	v0 =	vadd.f32 v0, v62  }
0x14d: {  	s30 =	sshll.u32 s30, $0xB;
	[tilespmem:s0+$0x20] =	vst v1  }
0x14e: {  	s31 =	sadd.s32 s30, s7;
	[tilespmem:s0+$0x30] =	vst v0  }
0x14f: {  	[hbm4b:s31+s3] =	stream.linear.scatter [tilespmem:s19], [sflag:$0xA], $0x4000, $0x38;
	[tilespmem:$0x1C000] =	vst v63  }
0x150: {  	s26 =	sadd.s32 $0x1, s26  }
0x151: {  	_ =	swait.ge [sflag:s24], $0x4000;
	p0 =	sne.s32 s26, s8  }
.Ltmp5:
0x152: {  	[sflag:s24] =	ssyncset.done $0x0;
	(pc) =	sbr.rel @p0 .LBB2_1-.Ltmp5, $4  }
0x153: {  	[sflag:s24] =	ssyncadd.s32 $0xFFFFC000  }
0x154: {  	_ =	swait.ge [sflag:s25], $0x4000  }
0x155: {  	[sflag:s25] =	ssyncset.done $0x0  }
0x156: {  	[sflag:s25] =	ssyncadd.s32 $0xFFFFC000  }
0x157: {  	_ =	sfence.sel $0x180000  }
0x158: {  	[bflag:$0x0] =	sbarrier.arrive $0xFFFF  }
0x159: {  	_ =	strace $0x90000047  }
0x15a: {  	s0 =	stileid.u32;
	[bflag:$0x2] =	sbarrier.arrive $0xFFFF  }
0x15b: {  	p0 =	sne.s32 s0, $0x0;
	s0 =	rddreg [dreg:$0x3]  }
0x15c: {  	s0 =	sadd.s32 @!p0 $0x100000, s0  }
0x15d: {  	[sflag:s0] =	ssyncadd.tile.s32 @!p0 $0x1;
	_ =	shalt  }
.Lfunc_end2:
_tile_overlayer_lowered:
.L_overlay_start_2:
0x15e: {  	(tag) =	ssettag $0x2  }
0x15f: {  	s0 =	rddreg [dreg:$0x0];
	s2 =	stileid.u32  }
0x160: {  	s1 =	rddreg [dreg:$0x1];
	p0 =	sne.s32 s2, $0x0  }
0x161: {  	s3 =	rddreg [dreg:$0x2];
	[bflag:$0x3] =	sbarrier.arrive $0xFFFF;
	s2 =	simm.s32 @!p0 $0x1C0B  }
0x162: {  	[timem:s3], [sflag:s2] =	dma.local @!p0 [hbm:s0], s1  }
0x163: {  	s0 =	simm.s32 @!p0 $0xB  }
0x164: {  	_ =	swait.ge @!p0 [sflag:s0], s1  }
0x165: {  	s1 =	ssub.s32 @!p0 $0x0, s1;
	[sflag:s0] =	ssyncset.done @!p0 $0x0  }
0x166: {  	[sflag:s0] =	ssyncadd.s32 @!p0 s1  }
0x167: {  	[bflag:$0x3] =	sbarrier.arrive $0xFFFF  }
0x168: {  	_ =	shalt  }

</sc_bundles>
